<compile_context>
chip_gen: v7x
topology: tpu7x:2x2x1
jax: 0.10.2.dev20260603
libtpu: 0.0.44.dev20260713+nightly
codegen_flags: <defaults>
</compile_context>

<pallas_src>
import functools

import jax
import jax.numpy as jnp
from jax import lax
from jax.experimental import pallas as pl
from jax.experimental.pallas import tpu as pltpu
from jax.experimental.pallas import tpu_sc as plsc

_L = 16
_NW = 32
_BLK = 384
_RING = 128

_LOG_COEFFS = (
    7.0376836292e-2, -1.1514610310e-1, 1.1676998740e-1,
    -1.2420140846e-1, 1.4249322787e-1, -1.6668057665e-1,
    1.9999714748e-1, -2.4999993993e-1, 3.3333331174e-1,
)
_LN2 = 0.6931471805599453
_SQRT2 = 1.41421356


def _softplus16(x):
    e = jnp.exp(jnp.minimum(x, 20.0))
    t = 1.0 + e
    i = lax.bitcast_convert_type(t, jnp.int32)
    ex = lax.shift_right_logical(i, 23) - 127
    m = lax.bitcast_convert_type((i & 0x7FFFFF) | 0x3F800000, jnp.float32)
    big = m > _SQRT2
    m = jnp.where(big, m * 0.5, m)
    exf = ex.astype(jnp.float32) + jnp.where(big, 1.0, 0.0)
    f = m - 1.0
    z = f * f
    p = jnp.full_like(f, _LOG_COEFFS[0])
    for c in _LOG_COEFFS[1:]:
        p = p * f + c
    logt = f * z * p - 0.5 * z + f + exf * _LN2
    return jnp.where(x > 20.0, x, logt)


def kernel(idxs, U, V):
    B = idxs.shape[0]
    D = U.shape[1]
    NE = U.shape[0]
    R = 2 * B
    rows_per_w = R // _NW
    nbatch = rows_per_w // _RING
    bmax = (NE - 1) // _BLK
    flat = idxs.astype(jnp.int32).reshape(-1)
    order = jnp.argsort(flat).astype(jnp.int32)
    sidx = flat[order].reshape(_NW, rows_per_w)
    pos = order.reshape(_NW, rows_per_w)
    UT = U.T
    VT = V.T

    mesh = plsc.VectorSubcoreMesh(core_axis_name="c", subcore_axis_name="s")

    @functools.partial(
        pl.kernel,
        out_type=jax.ShapeDtypeStruct((R, 2 * D), jnp.float32),
        mesh=mesh,
        compiler_params=pltpu.CompilerParams(use_tc_tiling_on_sc=True,
                                             needs_layout_passes=False),
        scratch_types=[
            pltpu.VMEM((rows_per_w + _L,), jnp.int32),
            pltpu.VMEM((rows_per_w + _L,), jnp.int32),
            pltpu.VMEM((D, _BLK), jnp.float32),
            pltpu.VMEM((D, _BLK), jnp.float32),
            pltpu.VMEM((D, _BLK), jnp.float32),
            pltpu.VMEM((D, _BLK), jnp.float32),
            pltpu.VMEM((_RING, 2 * D), jnp.float32),
            pltpu.VMEM((8, _RING), jnp.int32),
            pltpu.SemaphoreType.DMA,
            pltpu.SemaphoreType.DMA,
        ],
    )
    def run(sidx_hbm, pos_hbm, ut_hbm, vt_hbm, out_hbm,
            idx_v, pos_v, ubA, vbA, ubB, vbB, ring, ring_pos, spf, so):
        wid = lax.axis_index("s") * 2 + lax.axis_index("c")
        pltpu.sync_copy(sidx_hbm.at[wid], idx_v.at[pl.ds(0, rows_per_w)])
        pltpu.sync_copy(pos_hbm.at[wid], pos_v.at[pl.ds(0, rows_per_w)])

        lanes = lax.iota(jnp.int32, _L)
        lane0 = lanes == 0
        zeros = jnp.zeros_like(lanes)

        def load_sync(b, ub, vb):
            pltpu.sync_copy(ut_hbm.at[:, pl.ds(b * _BLK, _BLK)], ub)
            pltpu.sync_copy(vt_hbm.at[:, pl.ds(b * _BLK, _BLK)], vb)

        def load_async(b, ub, vb):
            pltpu.async_copy(ut_hbm.at[:, pl.ds(b * _BLK, _BLK)], ub, spf)
            pltpu.async_copy(vt_hbm.at[:, pl.ds(b * _BLK, _BLK)], vb, spf)

        def drain_prefetch():
            pltpu.make_async_copy(ut_hbm.at[:, pl.ds(0, _BLK)], ubA, spf).wait()
            pltpu.make_async_copy(vt_hbm.at[:, pl.ds(0, _BLK)], vbA, spf).wait()

        b0 = idx_v[pl.ds(0, _L)][0] // _BLK

        @pl.when((b0 & 1) == 0)
        def _():
            load_sync(b0, ubA, vbA)

        @pl.when((b0 & 1) == 1)
        def _():
            load_sync(b0, ubB, vbB)

        @pl.when(((b0 + 1) & 1) == 0)
        def _():
            load_async(jnp.minimum(b0 + 1, bmax), ubA, vbA)

        @pl.when(((b0 + 1) & 1) == 1)
        def _():
            load_async(jnp.minimum(b0 + 1, bmax), ubB, vbB)

        def batch_body(g, b_cur):
            def row_body(t, b_in):
                jj = g * _RING + t
                k = idx_v[pl.ds(jj, _L)][0]
                bn = k // _BLK
                sw = bn != b_in
                miss = jnp.logical_and(sw, bn != b_in + 1)
                p0 = (bn & 1) == 0
                q0 = ((bn + 1) & 1) == 0
                pf = jnp.minimum(bn + 1, bmax)

                @pl.when(sw)
                def _():
                    drain_prefetch()

                @pl.when(jnp.logical_and(miss, p0))
                def _():
                    load_sync(bn, ubA, vbA)

                @pl.when(jnp.logical_and(miss, jnp.logical_not(p0)))
                def _():
                    load_sync(bn, ubB, vbB)

                @pl.when(jnp.logical_and(sw, q0))
                def _():
                    load_async(pf, ubA, vbA)

                @pl.when(jnp.logical_and(sw, jnp.logical_not(q0)))
                def _():
                    load_async(pf, ubB, vbB)

                col = jnp.full_like(lanes, k - bn * _BLK)
                pvec = pos_v[pl.ds(jj, _L)]

                def extract(ub, vb):
                    for l in range(D // _L):
                        rvec = lanes + l * _L
                        uv = plsc.load_gather(ub, [rvec, col])
                        ring[t, pl.ds(l * _L, _L)] = uv
                        vv = plsc.load_gather(vb, [rvec, col])
                        ring[t, pl.ds(D + l * _L, _L)] = _softplus16(vv)

                @pl.when(p0)
                def _():
                    extract(ubA, vbA)

                @pl.when(jnp.logical_not(p0))
                def _():
                    extract(ubB, vbB)

                plsc.store_scatter(
                    ring_pos, [zeros, jnp.full_like(lanes, t)], pvec, mask=lane0)
                return bn

            b_out = lax.fori_loop(0, _RING, row_body, b_cur)
            pltpu.async_copy(ring, out_hbm.at[ring_pos.at[0]], so).wait()
            return b_out

        lax.fori_loop(0, nbatch, batch_body, b0)
        drain_prefetch()

    out = run(sidx, pos, UT, VT)
    mins = out[:, :D].reshape(B, 2, D)
    deltas = out[:, D:].reshape(B, 2, D)
    return jnp.stack([mins, deltas], axis=-2)

# --- scband reference (transcript-rebuilt; emitter-appended) ---
"""Pipeline reference for scband-hard-box-84284438217447 (READ-ONLY COPY).

The authoritative reference and input builder live on the scoring server;
editing this copy changes nothing except your own understanding.
"""

import jax, jax.numpy as jnp
import numpy as np

EPS = 1e-13  # tiny_value_of_dtype(torch.float)

def _softplus_t(x, beta=1.0, threshold=20.0):
    # matches F.softplus(x, beta=1, threshold=20)
    bx = beta * x
    safe = jnp.minimum(bx, threshold)
    sp = jnp.log1p(jnp.exp(safe)) / beta
    return jnp.where(bx > threshold, x, sp)

def setup_inputs(seed: int = 0) -> dict:
    key = jax.random.key(seed)
    k1, k2, k3 = jax.random.split(key, 3)
    num_entities, dim, batch = 1000000, 64, 16384
    idxs = jax.random.randint(k1, (batch, 2), 0, num_entities, dtype=jnp.int64) if jax.config.jax_enable_x64 else jax.random.randint(k1, (batch, 2), 0, num_entities, dtype=jnp.int32)
    U = jax.random.normal(k2, (num_entities, dim), dtype=jnp.float32)
    V = jax.random.normal(k3, (num_entities, dim), dtype=jnp.float32)
    return {"idxs": idxs, "U": U, "V": V}

def reference(idxs, U, V):
    # HardBox.forward in training mode (module default): gather mins/deltas,
    # constrain deltas via softplus, stack along dim=-2.
    mins = jnp.take(U, idxs, axis=0)          # (B, 2, D)
    deltas = jnp.take(V, idxs, axis=0)        # (B, 2, D)
    deltas = _softplus_t(deltas)
    return jnp.stack([mins, deltas], axis=-2)  # (B, 2, 2, D)

if __name__ == "__main__":
    import jax
    _d = setup_inputs()
    print(jax.jit(kernel)(*tuple(_d.values())))

</pallas_src>

<mosaic_0001>
#map = affine_map<(d0, d1) -> (0, 0)>
module attributes {stable_mosaic.version = 14 : i64} {
  func.func @run(%arg0: i32, %arg1: i32, %arg2: memref<32x1024xi32, #tpu.memory_space<hbm>>, %arg3: memref<32x1024xi32, #tpu.memory_space<hbm>>, %arg4: memref<64x1000000xf32, #tpu.memory_space<hbm>>, %arg5: memref<64x1000000xf32, #tpu.memory_space<hbm>>, %arg6: memref<32768x128xf32, #tpu.memory_space<hbm>>, %arg7: memref<1040xi32, #tpu.memory_space<vmem>>, %arg8: memref<1040xi32, #tpu.memory_space<vmem>>, %arg9: memref<64x384xf32, #tpu.memory_space<vmem>>, %arg10: memref<64x384xf32, #tpu.memory_space<vmem>>, %arg11: memref<64x384xf32, #tpu.memory_space<vmem>>, %arg12: memref<64x384xf32, #tpu.memory_space<vmem>>, %arg13: memref<128x128xf32, #tpu.memory_space<vmem>>, %arg14: memref<8x128xi32, #tpu.memory_space<vmem>>, %arg15: memref<!tpu.dma_semaphore, #tpu.memory_space<semaphore_mem>>, %arg16: memref<!tpu.dma_semaphore, #tpu.memory_space<semaphore_mem>>) attributes {dimension_semantics = [#tpu.dimension_semantics<core_parallel>, #tpu.dimension_semantics<subcore_parallel>], iteration_bounds = array<i64: 2, 16>, scalar_prefetch = 0 : i64, scratch_operands = 10 : i64, tpu.core_type = #tpu.core_type<sc_vector_subcore>, window_params = [{transform_indices = #map}, {transform_indices = #map}, {transform_indices = #map}, {transform_indices = #map}, {transform_indices = #map}]} {
    %mul3A = arith.constant 2 : i32
    %mul3A_0 = arith.muli %arg1, %mul3A : i32
    %add3A = arith.addi %mul3A_0, %arg0 : i32
    "tpu.region"() ({
      %run_scoped3A = tpu.sem_alloc : memref<!tpu.dma_semaphore, #tpu.memory_space<semaphore_mem>>
      %dma_start3A = arith.constant 0 : i32
      %dma_start3A_67 = tpu.memref_slice %arg7[%dma_start3A] : memref<1040xi32, #tpu.memory_space<vmem>> -> memref<1024xi32, #tpu.memory_space<vmem>>
      %dma_start3A_68 = arith.constant 0 : i32
      %dma_start3A_69 = tpu.memref_slice %arg2[%add3A, %dma_start3A_68] : memref<32x1024xi32, #tpu.memory_space<hbm>> -> memref<1x1024xi32, #tpu.memory_space<hbm>>
      %dma_start3A_70 = tpu.memref_squeeze %dma_start3A_69 : memref<1x1024xi32, #tpu.memory_space<hbm>> -> memref<1024xi32, #tpu.memory_space<hbm>>
      %dma_start3A_71 = arith.constant 0 : i32
      %dma_start3A_72 = tpu.memref_slice %arg7[%dma_start3A_71] : memref<1040xi32, #tpu.memory_space<vmem>> -> memref<1024xi32, #tpu.memory_space<vmem>>
      %dma_start3A_73 = arith.constant 0 : i32
      %dma_start3A_74 = tpu.memref_slice %arg2[%add3A, %dma_start3A_73] : memref<32x1024xi32, #tpu.memory_space<hbm>> -> memref<1x1024xi32, #tpu.memory_space<hbm>>
      %dma_start3A_75 = tpu.memref_squeeze %dma_start3A_74 : memref<1x1024xi32, #tpu.memory_space<hbm>> -> memref<1024xi32, #tpu.memory_space<hbm>>
      tpu.enqueue_dma source(%dma_start3A_75 : memref<1024xi32, #tpu.memory_space<hbm>>) target(%dma_start3A_72 : memref<1024xi32, #tpu.memory_space<vmem>>) target_semaphore(%run_scoped3A : memref<!tpu.dma_semaphore, #tpu.memory_space<semaphore_mem>>)
      %dma_wait3A_76 = arith.constant 0 : i32
      %dma_wait3A_77 = tpu.memref_slice %arg7[%dma_wait3A_76] : memref<1040xi32, #tpu.memory_space<vmem>> -> memref<1024xi32, #tpu.memory_space<vmem>>
      %dma_wait3A_78 = arith.constant 0 : i32
      %dma_wait3A_79 = tpu.memref_slice %arg2[%add3A, %dma_wait3A_78] : memref<32x1024xi32, #tpu.memory_space<hbm>> -> memref<1x1024xi32, #tpu.memory_space<hbm>>
      %dma_wait3A_80 = tpu.memref_squeeze %dma_wait3A_79 : memref<1x1024xi32, #tpu.memory_space<hbm>> -> memref<1024xi32, #tpu.memory_space<hbm>>
      %dma_wait3A_81 = arith.constant 0 : i32
      %dma_wait3A_82 = tpu.memref_slice %arg7[%dma_wait3A_81] : memref<1040xi32, #tpu.memory_space<vmem>> -> memref<1024xi32, #tpu.memory_space<vmem>>
      %dma_wait3A_83 = arith.constant 0 : i32
      %dma_wait3A_84 = tpu.memref_slice %arg2[%add3A, %dma_wait3A_83] : memref<32x1024xi32, #tpu.memory_space<hbm>> -> memref<1x1024xi32, #tpu.memory_space<hbm>>
      %dma_wait3A_85 = tpu.memref_squeeze %dma_wait3A_84 : memref<1x1024xi32, #tpu.memory_space<hbm>> -> memref<1024xi32, #tpu.memory_space<hbm>>
      tpu.wait_dma2 semaphore(%run_scoped3A : memref<!tpu.dma_semaphore, #tpu.memory_space<semaphore_mem>>) src(%dma_wait3A_85 : memref<1024xi32, #tpu.memory_space<hbm>>) dst(%dma_wait3A_82 : memref<1024xi32, #tpu.memory_space<vmem>>)
      tpu.yield
    }) : () -> ()
    "tpu.region"() ({
      %run_scoped3A = tpu.sem_alloc : memref<!tpu.dma_semaphore, #tpu.memory_space<semaphore_mem>>
      %dma_start3A = arith.constant 0 : i32
      %dma_start3A_67 = tpu.memref_slice %arg8[%dma_start3A] : memref<1040xi32, #tpu.memory_space<vmem>> -> memref<1024xi32, #tpu.memory_space<vmem>>
      %dma_start3A_68 = arith.constant 0 : i32
      %dma_start3A_69 = tpu.memref_slice %arg3[%add3A, %dma_start3A_68] : memref<32x1024xi32, #tpu.memory_space<hbm>> -> memref<1x1024xi32, #tpu.memory_space<hbm>>
      %dma_start3A_70 = tpu.memref_squeeze %dma_start3A_69 : memref<1x1024xi32, #tpu.memory_space<hbm>> -> memref<1024xi32, #tpu.memory_space<hbm>>
      %dma_start3A_71 = arith.constant 0 : i32
      %dma_start3A_72 = tpu.memref_slice %arg8[%dma_start3A_71] : memref<1040xi32, #tpu.memory_space<vmem>> -> memref<1024xi32, #tpu.memory_space<vmem>>
      %dma_start3A_73 = arith.constant 0 : i32
      %dma_start3A_74 = tpu.memref_slice %arg3[%add3A, %dma_start3A_73] : memref<32x1024xi32, #tpu.memory_space<hbm>> -> memref<1x1024xi32, #tpu.memory_space<hbm>>
      %dma_start3A_75 = tpu.memref_squeeze %dma_start3A_74 : memref<1x1024xi32, #tpu.memory_space<hbm>> -> memref<1024xi32, #tpu.memory_space<hbm>>
      tpu.enqueue_dma source(%dma_start3A_75 : memref<1024xi32, #tpu.memory_space<hbm>>) target(%dma_start3A_72 : memref<1024xi32, #tpu.memory_space<vmem>>) target_semaphore(%run_scoped3A : memref<!tpu.dma_semaphore, #tpu.memory_space<semaphore_mem>>)
      %dma_wait3A_76 = arith.constant 0 : i32
      %dma_wait3A_77 = tpu.memref_slice %arg8[%dma_wait3A_76] : memref<1040xi32, #tpu.memory_space<vmem>> -> memref<1024xi32, #tpu.memory_space<vmem>>
      %dma_wait3A_78 = arith.constant 0 : i32
      %dma_wait3A_79 = tpu.memref_slice %arg3[%add3A, %dma_wait3A_78] : memref<32x1024xi32, #tpu.memory_space<hbm>> -> memref<1x1024xi32, #tpu.memory_space<hbm>>
      %dma_wait3A_80 = tpu.memref_squeeze %dma_wait3A_79 : memref<1x1024xi32, #tpu.memory_space<hbm>> -> memref<1024xi32, #tpu.memory_space<hbm>>
      %dma_wait3A_81 = arith.constant 0 : i32
      %dma_wait3A_82 = tpu.memref_slice %arg8[%dma_wait3A_81] : memref<1040xi32, #tpu.memory_space<vmem>> -> memref<1024xi32, #tpu.memory_space<vmem>>
      %dma_wait3A_83 = arith.constant 0 : i32
      %dma_wait3A_84 = tpu.memref_slice %arg3[%add3A, %dma_wait3A_83] : memref<32x1024xi32, #tpu.memory_space<hbm>> -> memref<1x1024xi32, #tpu.memory_space<hbm>>
      %dma_wait3A_85 = tpu.memref_squeeze %dma_wait3A_84 : memref<1x1024xi32, #tpu.memory_space<hbm>> -> memref<1024xi32, #tpu.memory_space<hbm>>
      tpu.wait_dma2 semaphore(%run_scoped3A : memref<!tpu.dma_semaphore, #tpu.memory_space<semaphore_mem>>) src(%dma_wait3A_85 : memref<1024xi32, #tpu.memory_space<hbm>>) dst(%dma_wait3A_82 : memref<1024xi32, #tpu.memory_space<vmem>>)
      tpu.yield
    }) : () -> ()
    %iota3A = tpu.iota {dimensions = array<i32: 0>} : vector<16xi32>
    %eq3A = arith.constant 0 : i32
    %eq3A_1 = vector.broadcast %eq3A : i32 to vector<16xi32>
    %eq3A_2 = arith.cmpi eq, %iota3A, %eq3A_1 : vector<16xi32>
    %broadcast_in_dim3A = arith.constant 0 : i32
    %broadcast_in_dim3A_3 = vector.broadcast %broadcast_in_dim3A : i32 to vector<16xi32>
    %get3A = arith.constant 0 : index
    %get3A_4 = tpu.vector_load %arg7[%get3A] {strides = array<i32>} : memref<1040xi32, #tpu.memory_space<vmem>>, vector<16xi32>,
    %slice3A = vector.extract_strided_slice %get3A_4 {offsets = [0], sizes = [1], strides = [1]} : vector<16xi32> to vector<1xi32>
    %squeeze3A = vector.extract %slice3A[0] : i32 from vector<1xi32>
    %jit3A = arith.constant 384 : i32
    %div3A = arith.divsi %squeeze3A, %jit3A : i32
    %sign3A = arith.constant 0 : i32
    %sign3A_5 = arith.cmpi sgt, %squeeze3A, %sign3A : i32
    %sign3A_6 = arith.extui %sign3A_5 : i1 to i32
    %sign3A_7 = arith.constant 0 : i32
    %sign3A_8 = arith.cmpi slt, %squeeze3A, %sign3A_7 : i32
    %sign3A_9 = arith.extui %sign3A_8 : i1 to i32
    %sign3A_10 = arith.subi %sign3A_6, %sign3A_9 : i32
    %sign3A_11 = arith.constant 0 : i32
    %sign3A_12 = arith.cmpi sgt, %jit3A, %sign3A_11 : i32
    %sign3A_13 = arith.extui %sign3A_12 : i1 to i32
    %sign3A_14 = arith.constant 0 : i32
    %sign3A_15 = arith.cmpi slt, %jit3A, %sign3A_14 : i32
    %sign3A_16 = arith.extui %sign3A_15 : i1 to i32
    %sign3A_17 = arith.subi %sign3A_13, %sign3A_16 : i32
    %ne3A = arith.cmpi ne, %sign3A_10, %sign3A_17 : i32
    %rem3A = arith.remsi %squeeze3A, %jit3A : i32
    %ne3A_18 = arith.constant 0 : i32
    %ne3A_19 = arith.cmpi ne, %rem3A, %ne3A_18 : i32
    %and3A = arith.andi %ne3A, %ne3A_19 : i1
    %sub3A = arith.constant 1 : i32
    %sub3A_20 = arith.subi %div3A, %sub3A : i32
    %select_n3A = arith.select %and3A, %sub3A_20, %div3A : i32
    %and3A_21 = arith.constant 1 : i32
    %and3A_22 = arith.andi %select_n3A, %and3A_21 : i32
    %eq3A_23 = arith.constant 0 : i32
    %eq3A_24 = arith.cmpi eq, %and3A_22, %eq3A_23 : i32
    %convert_element_type3A = arith.extui %eq3A_24 : i1 to i32
    %cond3A = arith.constant 0 : i32
    %cond3A_25 = arith.cmpi ne, %convert_element_type3A, %cond3A : i32
    scf.if %cond3A_25 {
      %mul3A_67 = arith.constant 384 : i32
      %mul3A_68 = arith.muli %select_n3A, %mul3A_67 : i32
      "tpu.region"() ({
        %run_scoped3A = tpu.sem_alloc : memref<!tpu.dma_semaphore, #tpu.memory_space<semaphore_mem>>
        %dma_start3A = arith.constant 0 : i32
        %dma_start3A_71 = tpu.memref_slice %arg4[%dma_start3A, %mul3A_68] : memref<64x1000000xf32, #tpu.memory_space<hbm>> -> memref<64x384xf32, #tpu.memory_space<hbm>>
        %dma_start3A_72 = arith.constant 0 : i32
        %dma_start3A_73 = tpu.memref_slice %arg4[%dma_start3A_72, %mul3A_68] : memref<64x1000000xf32, #tpu.memory_space<hbm>> -> memref<64x384xf32, #tpu.memory_space<hbm>>
        tpu.enqueue_dma source(%dma_start3A_73 : memref<64x384xf32, #tpu.memory_space<hbm>>) target(%arg9 : memref<64x384xf32, #tpu.memory_space<vmem>>) target_semaphore(%run_scoped3A : memref<!tpu.dma_semaphore, #tpu.memory_space<semaphore_mem>>)
        %dma_wait3A_74 = arith.constant 0 : i32
        %dma_wait3A_75 = tpu.memref_slice %arg4[%dma_wait3A_74, %mul3A_68] : memref<64x1000000xf32, #tpu.memory_space<hbm>> -> memref<64x384xf32, #tpu.memory_space<hbm>>
        %dma_wait3A_76 = arith.constant 0 : i32
        %dma_wait3A_77 = tpu.memref_slice %arg4[%dma_wait3A_76, %mul3A_68] : memref<64x1000000xf32, #tpu.memory_space<hbm>> -> memref<64x384xf32, #tpu.memory_space<hbm>>
        tpu.wait_dma2 semaphore(%run_scoped3A : memref<!tpu.dma_semaphore, #tpu.memory_space<semaphore_mem>>) src(%dma_wait3A_77 : memref<64x384xf32, #tpu.memory_space<hbm>>) dst(%arg9 : memref<64x384xf32, #tpu.memory_space<vmem>>)
        tpu.yield
      }) : () -> ()
      %mul3A_69 = arith.constant 384 : i32
      %mul3A_70 = arith.muli %select_n3A, %mul3A_69 : i32
      "tpu.region"() ({
        %run_scoped3A = tpu.sem_alloc : memref<!tpu.dma_semaphore, #tpu.memory_space<semaphore_mem>>
        %dma_start3A = arith.constant 0 : i32
        %dma_start3A_71 = tpu.memref_slice %arg5[%dma_start3A, %mul3A_70] : memref<64x1000000xf32, #tpu.memory_space<hbm>> -> memref<64x384xf32, #tpu.memory_space<hbm>>
        %dma_start3A_72 = arith.constant 0 : i32
        %dma_start3A_73 = tpu.memref_slice %arg5[%dma_start3A_72, %mul3A_70] : memref<64x1000000xf32, #tpu.memory_space<hbm>> -> memref<64x384xf32, #tpu.memory_space<hbm>>
        tpu.enqueue_dma source(%dma_start3A_73 : memref<64x384xf32, #tpu.memory_space<hbm>>) target(%arg10 : memref<64x384xf32, #tpu.memory_space<vmem>>) target_semaphore(%run_scoped3A : memref<!tpu.dma_semaphore, #tpu.memory_space<semaphore_mem>>)
        %dma_wait3A_74 = arith.constant 0 : i32
        %dma_wait3A_75 = tpu.memref_slice %arg5[%dma_wait3A_74, %mul3A_70] : memref<64x1000000xf32, #tpu.memory_space<hbm>> -> memref<64x384xf32, #tpu.memory_space<hbm>>
        %dma_wait3A_76 = arith.constant 0 : i32
        %dma_wait3A_77 = tpu.memref_slice %arg5[%dma_wait3A_76, %mul3A_70] : memref<64x1000000xf32, #tpu.memory_space<hbm>> -> memref<64x384xf32, #tpu.memory_space<hbm>>
        tpu.wait_dma2 semaphore(%run_scoped3A : memref<!tpu.dma_semaphore, #tpu.memory_space<semaphore_mem>>) src(%dma_wait3A_77 : memref<64x384xf32, #tpu.memory_space<hbm>>) dst(%arg10 : memref<64x384xf32, #tpu.memory_space<vmem>>)
        tpu.yield
      }) : () -> ()
    } else {
    }
    %and3A_26 = arith.constant 1 : i32
    %and3A_27 = arith.andi %select_n3A, %and3A_26 : i32
    %eq3A_28 = arith.constant 1 : i32
    %eq3A_29 = arith.cmpi eq, %and3A_27, %eq3A_28 : i32
    %convert_element_type3A_30 = arith.extui %eq3A_29 : i1 to i32
    %cond3A_31 = arith.constant 0 : i32
    %cond3A_32 = arith.cmpi ne, %convert_element_type3A_30, %cond3A_31 : i32
    scf.if %cond3A_32 {
      %mul3A_67 = arith.constant 384 : i32
      %mul3A_68 = arith.muli %select_n3A, %mul3A_67 : i32
      "tpu.region"() ({
        %run_scoped3A = tpu.sem_alloc : memref<!tpu.dma_semaphore, #tpu.memory_space<semaphore_mem>>
        %dma_start3A = arith.constant 0 : i32
        %dma_start3A_71 = tpu.memref_slice %arg4[%dma_start3A, %mul3A_68] : memref<64x1000000xf32, #tpu.memory_space<hbm>> -> memref<64x384xf32, #tpu.memory_space<hbm>>
        %dma_start3A_72 = arith.constant 0 : i32
        %dma_start3A_73 = tpu.memref_slice %arg4[%dma_start3A_72, %mul3A_68] : memref<64x1000000xf32, #tpu.memory_space<hbm>> -> memref<64x384xf32, #tpu.memory_space<hbm>>
        tpu.enqueue_dma source(%dma_start3A_73 : memref<64x384xf32, #tpu.memory_space<hbm>>) target(%arg11 : memref<64x384xf32, #tpu.memory_space<vmem>>) target_semaphore(%run_scoped3A : memref<!tpu.dma_semaphore, #tpu.memory_space<semaphore_mem>>)
        %dma_wait3A_74 = arith.constant 0 : i32
        %dma_wait3A_75 = tpu.memref_slice %arg4[%dma_wait3A_74, %mul3A_68] : memref<64x1000000xf32, #tpu.memory_space<hbm>> -> memref<64x384xf32, #tpu.memory_space<hbm>>
        %dma_wait3A_76 = arith.constant 0 : i32
        %dma_wait3A_77 = tpu.memref_slice %arg4[%dma_wait3A_76, %mul3A_68] : memref<64x1000000xf32, #tpu.memory_space<hbm>> -> memref<64x384xf32, #tpu.memory_space<hbm>>
        tpu.wait_dma2 semaphore(%run_scoped3A : memref<!tpu.dma_semaphore, #tpu.memory_space<semaphore_mem>>) src(%dma_wait3A_77 : memref<64x384xf32, #tpu.memory_space<hbm>>) dst(%arg11 : memref<64x384xf32, #tpu.memory_space<vmem>>)
        tpu.yield
      }) : () -> ()
      %mul3A_69 = arith.constant 384 : i32
      %mul3A_70 = arith.muli %select_n3A, %mul3A_69 : i32
      "tpu.region"() ({
        %run_scoped3A = tpu.sem_alloc : memref<!tpu.dma_semaphore, #tpu.memory_space<semaphore_mem>>
        %dma_start3A = arith.constant 0 : i32
        %dma_start3A_71 = tpu.memref_slice %arg5[%dma_start3A, %mul3A_70] : memref<64x1000000xf32, #tpu.memory_space<hbm>> -> memref<64x384xf32, #tpu.memory_space<hbm>>
        %dma_start3A_72 = arith.constant 0 : i32
        %dma_start3A_73 = tpu.memref_slice %arg5[%dma_start3A_72, %mul3A_70] : memref<64x1000000xf32, #tpu.memory_space<hbm>> -> memref<64x384xf32, #tpu.memory_space<hbm>>
        tpu.enqueue_dma source(%dma_start3A_73 : memref<64x384xf32, #tpu.memory_space<hbm>>) target(%arg12 : memref<64x384xf32, #tpu.memory_space<vmem>>) target_semaphore(%run_scoped3A : memref<!tpu.dma_semaphore, #tpu.memory_space<semaphore_mem>>)
        %dma_wait3A_74 = arith.constant 0 : i32
        %dma_wait3A_75 = tpu.memref_slice %arg5[%dma_wait3A_74, %mul3A_70] : memref<64x1000000xf32, #tpu.memory_space<hbm>> -> memref<64x384xf32, #tpu.memory_space<hbm>>
        %dma_wait3A_76 = arith.constant 0 : i32
        %dma_wait3A_77 = tpu.memref_slice %arg5[%dma_wait3A_76, %mul3A_70] : memref<64x1000000xf32, #tpu.memory_space<hbm>> -> memref<64x384xf32, #tpu.memory_space<hbm>>
        tpu.wait_dma2 semaphore(%run_scoped3A : memref<!tpu.dma_semaphore, #tpu.memory_space<semaphore_mem>>) src(%dma_wait3A_77 : memref<64x384xf32, #tpu.memory_space<hbm>>) dst(%arg12 : memref<64x384xf32, #tpu.memory_space<vmem>>)
        tpu.yield
      }) : () -> ()
    } else {
    }
    %add3A_33 = arith.constant 1 : i32
    %add3A_34 = arith.addi %select_n3A, %add3A_33 : i32
    %and3A_35 = arith.constant 1 : i32
    %and3A_36 = arith.andi %add3A_34, %and3A_35 : i32
    %eq3A_37 = arith.constant 0 : i32
    %eq3A_38 = arith.cmpi eq, %and3A_36, %eq3A_37 : i32
    %convert_element_type3A_39 = arith.extui %eq3A_38 : i1 to i32
    %cond3A_40 = arith.constant 0 : i32
    %cond3A_41 = arith.cmpi ne, %convert_element_type3A_39, %cond3A_40 : i32
    scf.if %cond3A_41 {
      %add3A_67 = arith.constant 1 : i32
      %add3A_68 = arith.addi %select_n3A, %add3A_67 : i32
      %min3A = arith.constant 2604 : i32
      %min3A_69 = arith.minsi %add3A_68, %min3A : i32
      %mul3A_70 = arith.constant 384 : i32
      %mul3A_71 = arith.muli %min3A_69, %mul3A_70 : i32
      %dma_start3A = arith.constant 0 : i32
      %dma_start3A_72 = tpu.memref_slice %arg4[%dma_start3A, %mul3A_71] : memref<64x1000000xf32, #tpu.memory_space<hbm>> -> memref<64x384xf32, #tpu.memory_space<hbm>>
      %dma_start3A_73 = arith.constant 0 : i32
      %dma_start3A_74 = tpu.memref_slice %arg4[%dma_start3A_73, %mul3A_71] : memref<64x1000000xf32, #tpu.memory_space<hbm>> -> memref<64x384xf32, #tpu.memory_space<hbm>>
      tpu.enqueue_dma source(%dma_start3A_74 : memref<64x384xf32, #tpu.memory_space<hbm>>) target(%arg9 : memref<64x384xf32, #tpu.memory_space<vmem>>) target_semaphore(%arg15 : memref<!tpu.dma_semaphore, #tpu.memory_space<semaphore_mem>>)
      %mul3A_75 = arith.constant 384 : i32
      %mul3A_76 = arith.muli %min3A_69, %mul3A_75 : i32
      %dma_start3A_77 = arith.constant 0 : i32
      %dma_start3A_78 = tpu.memref_slice %arg5[%dma_start3A_77, %mul3A_76] : memref<64x1000000xf32, #tpu.memory_space<hbm>> -> memref<64x384xf32, #tpu.memory_space<hbm>>
      %dma_start3A_79 = arith.constant 0 : i32
      %dma_start3A_80 = tpu.memref_slice %arg5[%dma_start3A_79, %mul3A_76] : memref<64x1000000xf32, #tpu.memory_space<hbm>> -> memref<64x384xf32, #tpu.memory_space<hbm>>
      tpu.enqueue_dma source(%dma_start3A_80 : memref<64x384xf32, #tpu.memory_space<hbm>>) target(%arg10 : memref<64x384xf32, #tpu.memory_space<vmem>>) target_semaphore(%arg15 : memref<!tpu.dma_semaphore, #tpu.memory_space<semaphore_mem>>)
    } else {
    }
    %add3A_42 = arith.constant 1 : i32
    %add3A_43 = arith.addi %select_n3A, %add3A_42 : i32
    %and3A_44 = arith.constant 1 : i32
    %and3A_45 = arith.andi %add3A_43, %and3A_44 : i32
    %eq3A_46 = arith.constant 1 : i32
    %eq3A_47 = arith.cmpi eq, %and3A_45, %eq3A_46 : i32
    %convert_element_type3A_48 = arith.extui %eq3A_47 : i1 to i32
    %cond3A_49 = arith.constant 0 : i32
    %cond3A_50 = arith.cmpi ne, %convert_element_type3A_48, %cond3A_49 : i32
    scf.if %cond3A_50 {
      %add3A_67 = arith.constant 1 : i32
      %add3A_68 = arith.addi %select_n3A, %add3A_67 : i32
      %min3A = arith.constant 2604 : i32
      %min3A_69 = arith.minsi %add3A_68, %min3A : i32
      %mul3A_70 = arith.constant 384 : i32
      %mul3A_71 = arith.muli %min3A_69, %mul3A_70 : i32
      %dma_start3A = arith.constant 0 : i32
      %dma_start3A_72 = tpu.memref_slice %arg4[%dma_start3A, %mul3A_71] : memref<64x1000000xf32, #tpu.memory_space<hbm>> -> memref<64x384xf32, #tpu.memory_space<hbm>>
      %dma_start3A_73 = arith.constant 0 : i32
      %dma_start3A_74 = tpu.memref_slice %arg4[%dma_start3A_73, %mul3A_71] : memref<64x1000000xf32, #tpu.memory_space<hbm>> -> memref<64x384xf32, #tpu.memory_space<hbm>>
      tpu.enqueue_dma source(%dma_start3A_74 : memref<64x384xf32, #tpu.memory_space<hbm>>) target(%arg11 : memref<64x384xf32, #tpu.memory_space<vmem>>) target_semaphore(%arg15 : memref<!tpu.dma_semaphore, #tpu.memory_space<semaphore_mem>>)
      %mul3A_75 = arith.constant 384 : i32
      %mul3A_76 = arith.muli %min3A_69, %mul3A_75 : i32
      %dma_start3A_77 = arith.constant 0 : i32
      %dma_start3A_78 = tpu.memref_slice %arg5[%dma_start3A_77, %mul3A_76] : memref<64x1000000xf32, #tpu.memory_space<hbm>> -> memref<64x384xf32, #tpu.memory_space<hbm>>
      %dma_start3A_79 = arith.constant 0 : i32
      %dma_start3A_80 = tpu.memref_slice %arg5[%dma_start3A_79, %mul3A_76] : memref<64x1000000xf32, #tpu.memory_space<hbm>> -> memref<64x384xf32, #tpu.memory_space<hbm>>
      tpu.enqueue_dma source(%dma_start3A_80 : memref<64x384xf32, #tpu.memory_space<hbm>>) target(%arg12 : memref<64x384xf32, #tpu.memory_space<vmem>>) target_semaphore(%arg15 : memref<!tpu.dma_semaphore, #tpu.memory_space<semaphore_mem>>)
    } else {
    }
    %scan3A = arith.constant 0 : i32
    %scan3A_51 = arith.constant 8 : i32
    %scan3A_52 = arith.addi %scan3A, %scan3A_51 : i32
    %scan3A_53 = arith.constant 1 : i32
    %scan3A_54 = scf.for %scan3A_67 = %scan3A to %scan3A_52 step %scan3A_53 iter_args(%scan3A_68 = %select_n3A) -> (i32)  : i32 {
      %scan3A_69 = arith.constant 0 : i32
      %scan3A_70 = arith.constant 128 : i32
      %scan3A_71 = arith.addi %scan3A_69, %scan3A_70 : i32
      %scan3A_72 = arith.constant 1 : i32
      %scan3A_73 = scf.for %scan3A_88 = %scan3A_69 to %scan3A_71 step %scan3A_72 iter_args(%scan3A_89 = %scan3A_68) -> (i32)  : i32 {
        %mul3A_90 = arith.constant 128 : i32
        %mul3A_91 = arith.muli %scan3A_67, %mul3A_90 : i32
        %add3A_92 = arith.addi %mul3A_91, %scan3A_88 : i32
        %get3A_93 = arith.index_cast %add3A_92 : i32 to index
        %get3A_94 = tpu.vector_load %arg7[%get3A_93] {strides = array<i32>} : memref<1040xi32, #tpu.memory_space<vmem>>, vector<16xi32>,
        %slice3A_95 = vector.extract_strided_slice %get3A_94 {offsets = [0], sizes = [1], strides = [1]} : vector<16xi32> to vector<1xi32>
        %squeeze3A_96 = vector.extract %slice3A_95[0] : i32 from vector<1xi32>
        %jit3A_97 = arith.constant 384 : i32
        %div3A_98 = arith.divsi %squeeze3A_96, %jit3A_97 : i32
        %sign3A_99 = arith.constant 0 : i32
        %sign3A_100 = arith.cmpi sgt, %squeeze3A_96, %sign3A_99 : i32
        %sign3A_101 = arith.extui %sign3A_100 : i1 to i32
        %sign3A_102 = arith.constant 0 : i32
        %sign3A_103 = arith.cmpi slt, %squeeze3A_96, %sign3A_102 : i32
        %sign3A_104 = arith.extui %sign3A_103 : i1 to i32
        %sign3A_105 = arith.subi %sign3A_101, %sign3A_104 : i32
        %sign3A_106 = arith.constant 0 : i32
        %sign3A_107 = arith.cmpi sgt, %jit3A_97, %sign3A_106 : i32
        %sign3A_108 = arith.extui %sign3A_107 : i1 to i32
        %sign3A_109 = arith.constant 0 : i32
        %sign3A_110 = arith.cmpi slt, %jit3A_97, %sign3A_109 : i32
        %sign3A_111 = arith.extui %sign3A_110 : i1 to i32
        %sign3A_112 = arith.subi %sign3A_108, %sign3A_111 : i32
        %ne3A_113 = arith.cmpi ne, %sign3A_105, %sign3A_112 : i32
        %rem3A_114 = arith.remsi %squeeze3A_96, %jit3A_97 : i32
        %ne3A_115 = arith.constant 0 : i32
        %ne3A_116 = arith.cmpi ne, %rem3A_114, %ne3A_115 : i32
        %and3A_117 = arith.andi %ne3A_113, %ne3A_116 : i1
        %sub3A_118 = arith.constant 1 : i32
        %sub3A_119 = arith.subi %div3A_98, %sub3A_118 : i32
        %select_n3A_120 = arith.select %and3A_117, %sub3A_119, %div3A_98 : i32
        %ne3A_121 = arith.cmpi ne, %select_n3A_120, %scan3A_89 : i32
        %add3A_122 = arith.constant 1 : i32
        %add3A_123 = arith.addi %scan3A_89, %add3A_122 : i32
        %ne3A_124 = arith.cmpi ne, %select_n3A_120, %add3A_123 : i32
        %and3A_125 = arith.andi %ne3A_121, %ne3A_124 : i1
        %and3A_126 = arith.constant 1 : i32
        %and3A_127 = arith.andi %select_n3A_120, %and3A_126 : i32
        %eq3A_128 = arith.constant 0 : i32
        %eq3A_129 = arith.cmpi eq, %and3A_127, %eq3A_128 : i32
        %add3A_130 = arith.constant 1 : i32
        %add3A_131 = arith.addi %select_n3A_120, %add3A_130 : i32
        %and3A_132 = arith.constant 1 : i32
        %and3A_133 = arith.andi %add3A_131, %and3A_132 : i32
        %eq3A_134 = arith.constant 0 : i32
        %eq3A_135 = arith.cmpi eq, %and3A_133, %eq3A_134 : i32
        %add3A_136 = arith.constant 1 : i32
        %add3A_137 = arith.addi %select_n3A_120, %add3A_136 : i32
        %min3A = arith.constant 2604 : i32
        %min3A_138 = arith.minsi %add3A_137, %min3A : i32
        %convert_element_type3A_139 = arith.extui %ne3A_121 : i1 to i32
        %cond3A_140 = arith.constant 0 : i32
        %cond3A_141 = arith.cmpi ne, %convert_element_type3A_139, %cond3A_140 : i32
        scf.if %cond3A_141 {
          %dma_wait3A_176 = arith.constant 0 : i32
          %dma_wait3A_177 = arith.constant 0 : i32
          %dma_wait3A_178 = tpu.memref_slice %arg4[%dma_wait3A_176, %dma_wait3A_177] : memref<64x1000000xf32, #tpu.memory_space<hbm>> -> memref<64x384xf32, #tpu.memory_space<hbm>>
          %dma_wait3A_179 = arith.constant 0 : i32
          %dma_wait3A_180 = arith.constant 0 : i32
          %dma_wait3A_181 = tpu.memref_slice %arg4[%dma_wait3A_179, %dma_wait3A_180] : memref<64x1000000xf32, #tpu.memory_space<hbm>> -> memref<64x384xf32, #tpu.memory_space<hbm>>
          tpu.wait_dma2 semaphore(%arg15 : memref<!tpu.dma_semaphore, #tpu.memory_space<semaphore_mem>>) src(%dma_wait3A_181 : memref<64x384xf32, #tpu.memory_space<hbm>>) dst(%arg9 : memref<64x384xf32, #tpu.memory_space<vmem>>)
          %dma_wait3A_182 = arith.constant 0 : i32
          %dma_wait3A_183 = arith.constant 0 : i32
          %dma_wait3A_184 = tpu.memref_slice %arg5[%dma_wait3A_182, %dma_wait3A_183] : memref<64x1000000xf32, #tpu.memory_space<hbm>> -> memref<64x384xf32, #tpu.memory_space<hbm>>
          %dma_wait3A_185 = arith.constant 0 : i32
          %dma_wait3A_186 = arith.constant 0 : i32
          %dma_wait3A_187 = tpu.memref_slice %arg5[%dma_wait3A_185, %dma_wait3A_186] : memref<64x1000000xf32, #tpu.memory_space<hbm>> -> memref<64x384xf32, #tpu.memory_space<hbm>>
          tpu.wait_dma2 semaphore(%arg15 : memref<!tpu.dma_semaphore, #tpu.memory_space<semaphore_mem>>) src(%dma_wait3A_187 : memref<64x384xf32, #tpu.memory_space<hbm>>) dst(%arg10 : memref<64x384xf32, #tpu.memory_space<vmem>>)
        } else {
        }
        %and3A_142 = arith.andi %and3A_125, %eq3A_129 : i1
        %convert_element_type3A_143 = arith.extui %and3A_142 : i1 to i32
        %cond3A_144 = arith.constant 0 : i32
        %cond3A_145 = arith.cmpi ne, %convert_element_type3A_143, %cond3A_144 : i32
        scf.if %cond3A_145 {
          %mul3A_176 = arith.constant 384 : i32
          %mul3A_177 = arith.muli %select_n3A_120, %mul3A_176 : i32
          "tpu.region"() ({
            %run_scoped3A = tpu.sem_alloc : memref<!tpu.dma_semaphore, #tpu.memory_space<semaphore_mem>>
            %dma_start3A_180 = arith.constant 0 : i32
            %dma_start3A_181 = tpu.memref_slice %arg4[%dma_start3A_180, %mul3A_177] : memref<64x1000000xf32, #tpu.memory_space<hbm>> -> memref<64x384xf32, #tpu.memory_space<hbm>>
            %dma_start3A_182 = arith.constant 0 : i32
            %dma_start3A_183 = tpu.memref_slice %arg4[%dma_start3A_182, %mul3A_177] : memref<64x1000000xf32, #tpu.memory_space<hbm>> -> memref<64x384xf32, #tpu.memory_space<hbm>>
            tpu.enqueue_dma source(%dma_start3A_183 : memref<64x384xf32, #tpu.memory_space<hbm>>) target(%arg9 : memref<64x384xf32, #tpu.memory_space<vmem>>) target_semaphore(%run_scoped3A : memref<!tpu.dma_semaphore, #tpu.memory_space<semaphore_mem>>)
            %dma_wait3A_184 = arith.constant 0 : i32
            %dma_wait3A_185 = tpu.memref_slice %arg4[%dma_wait3A_184, %mul3A_177] : memref<64x1000000xf32, #tpu.memory_space<hbm>> -> memref<64x384xf32, #tpu.memory_space<hbm>>
            %dma_wait3A_186 = arith.constant 0 : i32
            %dma_wait3A_187 = tpu.memref_slice %arg4[%dma_wait3A_186, %mul3A_177] : memref<64x1000000xf32, #tpu.memory_space<hbm>> -> memref<64x384xf32, #tpu.memory_space<hbm>>
            tpu.wait_dma2 semaphore(%run_scoped3A : memref<!tpu.dma_semaphore, #tpu.memory_space<semaphore_mem>>) src(%dma_wait3A_187 : memref<64x384xf32, #tpu.memory_space<hbm>>) dst(%arg9 : memref<64x384xf32, #tpu.memory_space<vmem>>)
            tpu.yield
          }) : () -> ()
          %mul3A_178 = arith.constant 384 : i32
          %mul3A_179 = arith.muli %select_n3A_120, %mul3A_178 : i32
          "tpu.region"() ({
            %run_scoped3A = tpu.sem_alloc : memref<!tpu.dma_semaphore, #tpu.memory_space<semaphore_mem>>
            %dma_start3A_180 = arith.constant 0 : i32
            %dma_start3A_181 = tpu.memref_slice %arg5[%dma_start3A_180, %mul3A_179] : memref<64x1000000xf32, #tpu.memory_space<hbm>> -> memref<64x384xf32, #tpu.memory_space<hbm>>
            %dma_start3A_182 = arith.constant 0 : i32
            %dma_start3A_183 = tpu.memref_slice %arg5[%dma_start3A_182, %mul3A_179] : memref<64x1000000xf32, #tpu.memory_space<hbm>> -> memref<64x384xf32, #tpu.memory_space<hbm>>
            tpu.enqueue_dma source(%dma_start3A_183 : memref<64x384xf32, #tpu.memory_space<hbm>>) target(%arg10 : memref<64x384xf32, #tpu.memory_space<vmem>>) target_semaphore(%run_scoped3A : memref<!tpu.dma_semaphore, #tpu.memory_space<semaphore_mem>>)
            %dma_wait3A_184 = arith.constant 0 : i32
            %dma_wait3A_185 = tpu.memref_slice %arg5[%dma_wait3A_184, %mul3A_179] : memref<64x1000000xf32, #tpu.memory_space<hbm>> -> memref<64x384xf32, #tpu.memory_space<hbm>>
            %dma_wait3A_186 = arith.constant 0 : i32
            %dma_wait3A_187 = tpu.memref_slice %arg5[%dma_wait3A_186, %mul3A_179] : memref<64x1000000xf32, #tpu.memory_space<hbm>> -> memref<64x384xf32, #tpu.memory_space<hbm>>
            tpu.wait_dma2 semaphore(%run_scoped3A : memref<!tpu.dma_semaphore, #tpu.memory_space<semaphore_mem>>) src(%dma_wait3A_187 : memref<64x384xf32, #tpu.memory_space<hbm>>) dst(%arg10 : memref<64x384xf32, #tpu.memory_space<vmem>>)
            tpu.yield
          }) : () -> ()
        } else {
        }
        %not3A = arith.constant true
        %not3A_146 = arith.xori %eq3A_129, %not3A : i1
        %and3A_147 = arith.andi %and3A_125, %not3A_146 : i1
        %convert_element_type3A_148 = arith.extui %and3A_147 : i1 to i32
        %cond3A_149 = arith.constant 0 : i32
        %cond3A_150 = arith.cmpi ne, %convert_element_type3A_148, %cond3A_149 : i32
        scf.if %cond3A_150 {
          %mul3A_176 = arith.constant 384 : i32
          %mul3A_177 = arith.muli %select_n3A_120, %mul3A_176 : i32
          "tpu.region"() ({
            %run_scoped3A = tpu.sem_alloc : memref<!tpu.dma_semaphore, #tpu.memory_space<semaphore_mem>>
            %dma_start3A_180 = arith.constant 0 : i32
            %dma_start3A_181 = tpu.memref_slice %arg4[%dma_start3A_180, %mul3A_177] : memref<64x1000000xf32, #tpu.memory_space<hbm>> -> memref<64x384xf32, #tpu.memory_space<hbm>>
            %dma_start3A_182 = arith.constant 0 : i32
            %dma_start3A_183 = tpu.memref_slice %arg4[%dma_start3A_182, %mul3A_177] : memref<64x1000000xf32, #tpu.memory_space<hbm>> -> memref<64x384xf32, #tpu.memory_space<hbm>>
            tpu.enqueue_dma source(%dma_start3A_183 : memref<64x384xf32, #tpu.memory_space<hbm>>) target(%arg11 : memref<64x384xf32, #tpu.memory_space<vmem>>) target_semaphore(%run_scoped3A : memref<!tpu.dma_semaphore, #tpu.memory_space<semaphore_mem>>)
            %dma_wait3A_184 = arith.constant 0 : i32
            %dma_wait3A_185 = tpu.memref_slice %arg4[%dma_wait3A_184, %mul3A_177] : memref<64x1000000xf32, #tpu.memory_space<hbm>> -> memref<64x384xf32, #tpu.memory_space<hbm>>
            %dma_wait3A_186 = arith.constant 0 : i32
            %dma_wait3A_187 = tpu.memref_slice %arg4[%dma_wait3A_186, %mul3A_177] : memref<64x1000000xf32, #tpu.memory_space<hbm>> -> memref<64x384xf32, #tpu.memory_space<hbm>>
            tpu.wait_dma2 semaphore(%run_scoped3A : memref<!tpu.dma_semaphore, #tpu.memory_space<semaphore_mem>>) src(%dma_wait3A_187 : memref<64x384xf32, #tpu.memory_space<hbm>>) dst(%arg11 : memref<64x384xf32, #tpu.memory_space<vmem>>)
            tpu.yield
          }) : () -> ()
          %mul3A_178 = arith.constant 384 : i32
          %mul3A_179 = arith.muli %select_n3A_120, %mul3A_178 : i32
          "tpu.region"() ({
            %run_scoped3A = tpu.sem_alloc : memref<!tpu.dma_semaphore, #tpu.memory_space<semaphore_mem>>
            %dma_start3A_180 = arith.constant 0 : i32
            %dma_start3A_181 = tpu.memref_slice %arg5[%dma_start3A_180, %mul3A_179] : memref<64x1000000xf32, #tpu.memory_space<hbm>> -> memref<64x384xf32, #tpu.memory_space<hbm>>
            %dma_start3A_182 = arith.constant 0 : i32
            %dma_start3A_183 = tpu.memref_slice %arg5[%dma_start3A_182, %mul3A_179] : memref<64x1000000xf32, #tpu.memory_space<hbm>> -> memref<64x384xf32, #tpu.memory_space<hbm>>
            tpu.enqueue_dma source(%dma_start3A_183 : memref<64x384xf32, #tpu.memory_space<hbm>>) target(%arg12 : memref<64x384xf32, #tpu.memory_space<vmem>>) target_semaphore(%run_scoped3A : memref<!tpu.dma_semaphore, #tpu.memory_space<semaphore_mem>>)
            %dma_wait3A_184 = arith.constant 0 : i32
            %dma_wait3A_185 = tpu.memref_slice %arg5[%dma_wait3A_184, %mul3A_179] : memref<64x1000000xf32, #tpu.memory_space<hbm>> -> memref<64x384xf32, #tpu.memory_space<hbm>>
            %dma_wait3A_186 = arith.constant 0 : i32
            %dma_wait3A_187 = tpu.memref_slice %arg5[%dma_wait3A_186, %mul3A_179] : memref<64x1000000xf32, #tpu.memory_space<hbm>> -> memref<64x384xf32, #tpu.memory_space<hbm>>
            tpu.wait_dma2 semaphore(%run_scoped3A : memref<!tpu.dma_semaphore, #tpu.memory_space<semaphore_mem>>) src(%dma_wait3A_187 : memref<64x384xf32, #tpu.memory_space<hbm>>) dst(%arg12 : memref<64x384xf32, #tpu.memory_space<vmem>>)
            tpu.yield
          }) : () -> ()
        } else {
        }
        %and3A_151 = arith.andi %ne3A_121, %eq3A_135 : i1
        %convert_element_type3A_152 = arith.extui %and3A_151 : i1 to i32
        %cond3A_153 = arith.constant 0 : i32
        %cond3A_154 = arith.cmpi ne, %convert_element_type3A_152, %cond3A_153 : i32
        scf.if %cond3A_154 {
          %mul3A_176 = arith.constant 384 : i32
          %mul3A_177 = arith.muli %min3A_138, %mul3A_176 : i32
          %dma_start3A_178 = arith.constant 0 : i32
          %dma_start3A_179 = tpu.memref_slice %arg4[%dma_start3A_178, %mul3A_177] : memref<64x1000000xf32, #tpu.memory_space<hbm>> -> memref<64x384xf32, #tpu.memory_space<hbm>>
          %dma_start3A_180 = arith.constant 0 : i32
          %dma_start3A_181 = tpu.memref_slice %arg4[%dma_start3A_180, %mul3A_177] : memref<64x1000000xf32, #tpu.memory_space<hbm>> -> memref<64x384xf32, #tpu.memory_space<hbm>>
          tpu.enqueue_dma source(%dma_start3A_181 : memref<64x384xf32, #tpu.memory_space<hbm>>) target(%arg9 : memref<64x384xf32, #tpu.memory_space<vmem>>) target_semaphore(%arg15 : memref<!tpu.dma_semaphore, #tpu.memory_space<semaphore_mem>>)
          %mul3A_182 = arith.constant 384 : i32
          %mul3A_183 = arith.muli %min3A_138, %mul3A_182 : i32
          %dma_start3A_184 = arith.constant 0 : i32
          %dma_start3A_185 = tpu.memref_slice %arg5[%dma_start3A_184, %mul3A_183] : memref<64x1000000xf32, #tpu.memory_space<hbm>> -> memref<64x384xf32, #tpu.memory_space<hbm>>
          %dma_start3A_186 = arith.constant 0 : i32
          %dma_start3A_187 = tpu.memref_slice %arg5[%dma_start3A_186, %mul3A_183] : memref<64x1000000xf32, #tpu.memory_space<hbm>> -> memref<64x384xf32, #tpu.memory_space<hbm>>
          tpu.enqueue_dma source(%dma_start3A_187 : memref<64x384xf32, #tpu.memory_space<hbm>>) target(%arg10 : memref<64x384xf32, #tpu.memory_space<vmem>>) target_semaphore(%arg15 : memref<!tpu.dma_semaphore, #tpu.memory_space<semaphore_mem>>)
        } else {
        }
        %not3A_155 = arith.constant true
        %not3A_156 = arith.xori %eq3A_135, %not3A_155 : i1
        %and3A_157 = arith.andi %ne3A_121, %not3A_156 : i1
        %convert_element_type3A_158 = arith.extui %and3A_157 : i1 to i32
        %cond3A_159 = arith.constant 0 : i32
        %cond3A_160 = arith.cmpi ne, %convert_element_type3A_158, %cond3A_159 : i32
        scf.if %cond3A_160 {
          %mul3A_176 = arith.constant 384 : i32
          %mul3A_177 = arith.muli %min3A_138, %mul3A_176 : i32
          %dma_start3A_178 = arith.constant 0 : i32
          %dma_start3A_179 = tpu.memref_slice %arg4[%dma_start3A_178, %mul3A_177] : memref<64x1000000xf32, #tpu.memory_space<hbm>> -> memref<64x384xf32, #tpu.memory_space<hbm>>
          %dma_start3A_180 = arith.constant 0 : i32
          %dma_start3A_181 = tpu.memref_slice %arg4[%dma_start3A_180, %mul3A_177] : memref<64x1000000xf32, #tpu.memory_space<hbm>> -> memref<64x384xf32, #tpu.memory_space<hbm>>
          tpu.enqueue_dma source(%dma_start3A_181 : memref<64x384xf32, #tpu.memory_space<hbm>>) target(%arg11 : memref<64x384xf32, #tpu.memory_space<vmem>>) target_semaphore(%arg15 : memref<!tpu.dma_semaphore, #tpu.memory_space<semaphore_mem>>)
          %mul3A_182 = arith.constant 384 : i32
          %mul3A_183 = arith.muli %min3A_138, %mul3A_182 : i32
          %dma_start3A_184 = arith.constant 0 : i32
          %dma_start3A_185 = tpu.memref_slice %arg5[%dma_start3A_184, %mul3A_183] : memref<64x1000000xf32, #tpu.memory_space<hbm>> -> memref<64x384xf32, #tpu.memory_space<hbm>>
          %dma_start3A_186 = arith.constant 0 : i32
          %dma_start3A_187 = tpu.memref_slice %arg5[%dma_start3A_186, %mul3A_183] : memref<64x1000000xf32, #tpu.memory_space<hbm>> -> memref<64x384xf32, #tpu.memory_space<hbm>>
          tpu.enqueue_dma source(%dma_start3A_187 : memref<64x384xf32, #tpu.memory_space<hbm>>) target(%arg12 : memref<64x384xf32, #tpu.memory_space<vmem>>) target_semaphore(%arg15 : memref<!tpu.dma_semaphore, #tpu.memory_space<semaphore_mem>>)
        } else {
        }
        %mul3A_161 = arith.constant 384 : i32
        %mul3A_162 = arith.muli %select_n3A_120, %mul3A_161 : i32
        %sub3A_163 = arith.subi %squeeze3A_96, %mul3A_162 : i32
        %broadcast_in_dim3A_164 = vector.broadcast %sub3A_163 : i32 to vector<16xi32>
        %get3A_165 = arith.index_cast %add3A_92 : i32 to index
        %get3A_166 = tpu.vector_load %arg8[%get3A_165] {strides = array<i32>} : memref<1040xi32, #tpu.memory_space<vmem>>, vector<16xi32>,
        %convert_element_type3A_167 = arith.extui %eq3A_129 : i1 to i32
        %cond3A_168 = arith.constant 0 : i32
        %cond3A_169 = arith.cmpi ne, %convert_element_type3A_167, %cond3A_168 : i32
        scf.if %cond3A_169 {
          %add3A_176 = arith.constant 0 : i32
          %add3A_177 = vector.broadcast %add3A_176 : i32 to vector<16xi32>
          %add3A_178 = arith.addi %iota3A, %add3A_177 : vector<16xi32>
          %gather3A = tpu.vector_load_idx %arg9[%add3A_178, %broadcast_in_dim3A_164] : memref<64x384xf32, #tpu.memory_space<vmem>>[vector<16xi32>, vector<16xi32>], vector<16xf32>,
          %swap3A = arith.index_cast %scan3A_88 : i32 to index
          %swap3A_179 = arith.constant 0 : index
          %swap3A_180 = tpu.vector_load %arg13[%swap3A, %swap3A_179] {strides = array<i32>} : memref<128x128xf32, #tpu.memory_space<vmem>>, vector<16xf32>,
          tpu.vector_store %arg13[%swap3A, %swap3A_179], %gather3A {strides = array<i32>} : memref<128x128xf32, #tpu.memory_space<vmem>>, vector<16xf32>,
          %gather3A_181 = tpu.vector_load_idx %arg10[%add3A_178, %broadcast_in_dim3A_164] : memref<64x384xf32, #tpu.memory_space<vmem>>[vector<16xi32>, vector<16xi32>], vector<16xf32>,
          %min3A_182 = arith.constant 2.000000e+01 : f32
          %min3A_183 = vector.broadcast %min3A_182 : f32 to vector<16xf32>
          %min3A_184 = arith.minimumf %gather3A_181, %min3A_183 : vector<16xf32>
          %exp3A = math.exp %min3A_184 : vector<16xf32>
          %add3A_185 = arith.constant 1.000000e+00 : f32
          %add3A_186 = vector.broadcast %add3A_185 : f32 to vector<16xf32>
          %add3A_187 = arith.addf %add3A_186, %exp3A : vector<16xf32>
          %bitcast_convert_type3A = tpu.bitcast %add3A_187 : vector<16xf32> -> vector<16xi32>
          %shift_right_logical3A = arith.constant 23 : i32
          %shift_right_logical3A_188 = vector.broadcast %shift_right_logical3A : i32 to vector<16xi32>
          %shift_right_logical3A_189 = arith.shrui %bitcast_convert_type3A, %shift_right_logical3A_188 : vector<16xi32>
          %sub3A_190 = arith.constant 127 : i32
          %sub3A_191 = vector.broadcast %sub3A_190 : i32 to vector<16xi32>
          %sub3A_192 = arith.subi %shift_right_logical3A_189, %sub3A_191 : vector<16xi32>
          %and3A_193 = arith.constant 8388607 : i32
          %and3A_194 = vector.broadcast %and3A_193 : i32 to vector<16xi32>
          %and3A_195 = arith.andi %bitcast_convert_type3A, %and3A_194 : vector<16xi32>
          %or3A = arith.constant 1065353216 : i32
          %or3A_196 = vector.broadcast %or3A : i32 to vector<16xi32>
          %or3A_197 = arith.ori %and3A_195, %or3A_196 : vector<16xi32>
          %bitcast_convert_type3A_198 = tpu.bitcast %or3A_197 : vector<16xi32> -> vector<16xf32>
          %gt3A = arith.constant 1.41421354 : f32
          %gt3A_199 = vector.broadcast %gt3A : f32 to vector<16xf32>
          %gt3A_200 = arith.cmpf ogt, %bitcast_convert_type3A_198, %gt3A_199 : vector<16xf32>
          %mul3A_201 = arith.constant 5.000000e-01 : f32
          %mul3A_202 = vector.broadcast %mul3A_201 : f32 to vector<16xf32>
          %mul3A_203 = arith.mulf %bitcast_convert_type3A_198, %mul3A_202 : vector<16xf32>
          %select_n3A_204 = arith.select %gt3A_200, %mul3A_203, %bitcast_convert_type3A_198 : vector<16xi1>, vector<16xf32>
          %convert_element_type3A_205 = arith.sitofp %sub3A_192 : vector<16xi32> to vector<16xf32>
          %jit3A_206 = arith.constant 1.000000e+00 : f32
          %jit3A_207 = arith.constant 0.000000e+00 : f32
          %broadcast_in_dim3A_208 = vector.broadcast %jit3A_206 : f32 to vector<16xf32>
          %broadcast_in_dim3A_209 = vector.broadcast %jit3A_207 : f32 to vector<16xf32>
          %select_n3A_210 = arith.select %gt3A_200, %broadcast_in_dim3A_208, %broadcast_in_dim3A_209 : vector<16xi1>, vector<16xf32>
          %add3A_211 = arith.addf %convert_element_type3A_205, %select_n3A_210 : vector<16xf32>
          %sub3A_212 = arith.constant 1.000000e+00 : f32
          %sub3A_213 = vector.broadcast %sub3A_212 : f32 to vector<16xf32>
          %sub3A_214 = arith.subf %select_n3A_204, %sub3A_213 : vector<16xf32>
          %mul3A_215 = arith.mulf %sub3A_214, %sub3A_214 : vector<16xf32>
          %broadcast_in_dim3A_216 = arith.constant 0.0703768358 : f32
          %broadcast_in_dim3A_217 = vector.broadcast %broadcast_in_dim3A_216 : f32 to vector<16xf32>
          %mul3A_218 = arith.mulf %broadcast_in_dim3A_217, %sub3A_214 : vector<16xf32>
          %add3A_219 = arith.constant -0.115146101 : f32
          %add3A_220 = vector.broadcast %add3A_219 : f32 to vector<16xf32>
          %add3A_221 = arith.addf %mul3A_218, %add3A_220 : vector<16xf32>
          %mul3A_222 = arith.mulf %add3A_221, %sub3A_214 : vector<16xf32>
          %add3A_223 = arith.constant 0.116769984 : f32
          %add3A_224 = vector.broadcast %add3A_223 : f32 to vector<16xf32>
          %add3A_225 = arith.addf %mul3A_222, %add3A_224 : vector<16xf32>
          %mul3A_226 = arith.mulf %add3A_225, %sub3A_214 : vector<16xf32>
          %add3A_227 = arith.constant -0.12420141 : f32
          %add3A_228 = vector.broadcast %add3A_227 : f32 to vector<16xf32>
          %add3A_229 = arith.addf %mul3A_226, %add3A_228 : vector<16xf32>
          %mul3A_230 = arith.mulf %add3A_229, %sub3A_214 : vector<16xf32>
          %add3A_231 = arith.constant 0.142493233 : f32
          %add3A_232 = vector.broadcast %add3A_231 : f32 to vector<16xf32>
          %add3A_233 = arith.addf %mul3A_230, %add3A_232 : vector<16xf32>
          %mul3A_234 = arith.mulf %add3A_233, %sub3A_214 : vector<16xf32>
          %add3A_235 = arith.constant -0.166680574 : f32
          %add3A_236 = vector.broadcast %add3A_235 : f32 to vector<16xf32>
          %add3A_237 = arith.addf %mul3A_234, %add3A_236 : vector<16xf32>
          %mul3A_238 = arith.mulf %add3A_237, %sub3A_214 : vector<16xf32>
          %add3A_239 = arith.constant 0.199997142 : f32
          %add3A_240 = vector.broadcast %add3A_239 : f32 to vector<16xf32>
          %add3A_241 = arith.addf %mul3A_238, %add3A_240 : vector<16xf32>
          %mul3A_242 = arith.mulf %add3A_241, %sub3A_214 : vector<16xf32>
          %add3A_243 = arith.constant -0.24999994 : f32
          %add3A_244 = vector.broadcast %add3A_243 : f32 to vector<16xf32>
          %add3A_245 = arith.addf %mul3A_242, %add3A_244 : vector<16xf32>
          %mul3A_246 = arith.mulf %add3A_245, %sub3A_214 : vector<16xf32>
          %add3A_247 = arith.constant 0.333333313 : f32
          %add3A_248 = vector.broadcast %add3A_247 : f32 to vector<16xf32>
          %add3A_249 = arith.addf %mul3A_246, %add3A_248 : vector<16xf32>
          %mul3A_250 = arith.mulf %sub3A_214, %mul3A_215 : vector<16xf32>
          %mul3A_251 = arith.mulf %mul3A_250, %add3A_249 : vector<16xf32>
          %mul3A_252 = arith.constant 5.000000e-01 : f32
          %mul3A_253 = vector.broadcast %mul3A_252 : f32 to vector<16xf32>
          %mul3A_254 = arith.mulf %mul3A_253, %mul3A_215 : vector<16xf32>
          %sub3A_255 = arith.subf %mul3A_251, %mul3A_254 : vector<16xf32>
          %add3A_256 = arith.addf %sub3A_255, %sub3A_214 : vector<16xf32>
          %mul3A_257 = arith.constant 0.693147182 : f32
          %mul3A_258 = vector.broadcast %mul3A_257 : f32 to vector<16xf32>
          %mul3A_259 = arith.mulf %add3A_211, %mul3A_258 : vector<16xf32>
          %add3A_260 = arith.addf %add3A_256, %mul3A_259 : vector<16xf32>
          %gt3A_261 = arith.constant 2.000000e+01 : f32
          %gt3A_262 = vector.broadcast %gt3A_261 : f32 to vector<16xf32>
          %gt3A_263 = arith.cmpf ogt, %gather3A_181, %gt3A_262 : vector<16xf32>
          %select_n3A_264 = arith.select %gt3A_263, %gather3A_181, %add3A_260 : vector<16xi1>, vector<16xf32>
          %swap3A_265 = arith.index_cast %scan3A_88 : i32 to index
          %swap3A_266 = arith.constant 64 : index
          %swap3A_267 = tpu.vector_load %arg13[%swap3A_265, %swap3A_266] {strides = array<i32>} : memref<128x128xf32, #tpu.memory_space<vmem>>, vector<16xf32>,
          tpu.vector_store %arg13[%swap3A_265, %swap3A_266], %select_n3A_264 {strides = array<i32>} : memref<128x128xf32, #tpu.memory_space<vmem>>, vector<16xf32>,
          %add3A_268 = arith.constant 16 : i32
          %add3A_269 = vector.broadcast %add3A_268 : i32 to vector<16xi32>
          %add3A_270 = arith.addi %iota3A, %add3A_269 : vector<16xi32>
          %gather3A_271 = tpu.vector_load_idx %arg9[%add3A_270, %broadcast_in_dim3A_164] : memref<64x384xf32, #tpu.memory_space<vmem>>[vector<16xi32>, vector<16xi32>], vector<16xf32>,
          %swap3A_272 = arith.index_cast %scan3A_88 : i32 to index
          %swap3A_273 = arith.constant 16 : index
          %swap3A_274 = tpu.vector_load %arg13[%swap3A_272, %swap3A_273] {strides = array<i32>} : memref<128x128xf32, #tpu.memory_space<vmem>>, vector<16xf32>,
          tpu.vector_store %arg13[%swap3A_272, %swap3A_273], %gather3A_271 {strides = array<i32>} : memref<128x128xf32, #tpu.memory_space<vmem>>, vector<16xf32>,
          %gather3A_275 = tpu.vector_load_idx %arg10[%add3A_270, %broadcast_in_dim3A_164] : memref<64x384xf32, #tpu.memory_space<vmem>>[vector<16xi32>, vector<16xi32>], vector<16xf32>,
          %min3A_276 = arith.constant 2.000000e+01 : f32
          %min3A_277 = vector.broadcast %min3A_276 : f32 to vector<16xf32>
          %min3A_278 = arith.minimumf %gather3A_275, %min3A_277 : vector<16xf32>
          %exp3A_279 = math.exp %min3A_278 : vector<16xf32>
          %add3A_280 = arith.constant 1.000000e+00 : f32
          %add3A_281 = vector.broadcast %add3A_280 : f32 to vector<16xf32>
          %add3A_282 = arith.addf %add3A_281, %exp3A_279 : vector<16xf32>
          %bitcast_convert_type3A_283 = tpu.bitcast %add3A_282 : vector<16xf32> -> vector<16xi32>
          %shift_right_logical3A_284 = arith.constant 23 : i32
          %shift_right_logical3A_285 = vector.broadcast %shift_right_logical3A_284 : i32 to vector<16xi32>
          %shift_right_logical3A_286 = arith.shrui %bitcast_convert_type3A_283, %shift_right_logical3A_285 : vector<16xi32>
          %sub3A_287 = arith.constant 127 : i32
          %sub3A_288 = vector.broadcast %sub3A_287 : i32 to vector<16xi32>
          %sub3A_289 = arith.subi %shift_right_logical3A_286, %sub3A_288 : vector<16xi32>
          %and3A_290 = arith.constant 8388607 : i32
          %and3A_291 = vector.broadcast %and3A_290 : i32 to vector<16xi32>
          %and3A_292 = arith.andi %bitcast_convert_type3A_283, %and3A_291 : vector<16xi32>
          %or3A_293 = arith.constant 1065353216 : i32
          %or3A_294 = vector.broadcast %or3A_293 : i32 to vector<16xi32>
          %or3A_295 = arith.ori %and3A_292, %or3A_294 : vector<16xi32>
          %bitcast_convert_type3A_296 = tpu.bitcast %or3A_295 : vector<16xi32> -> vector<16xf32>
          %gt3A_297 = arith.constant 1.41421354 : f32
          %gt3A_298 = vector.broadcast %gt3A_297 : f32 to vector<16xf32>
          %gt3A_299 = arith.cmpf ogt, %bitcast_convert_type3A_296, %gt3A_298 : vector<16xf32>
          %mul3A_300 = arith.constant 5.000000e-01 : f32
          %mul3A_301 = vector.broadcast %mul3A_300 : f32 to vector<16xf32>
          %mul3A_302 = arith.mulf %bitcast_convert_type3A_296, %mul3A_301 : vector<16xf32>
          %select_n3A_303 = arith.select %gt3A_299, %mul3A_302, %bitcast_convert_type3A_296 : vector<16xi1>, vector<16xf32>
          %convert_element_type3A_304 = arith.sitofp %sub3A_289 : vector<16xi32> to vector<16xf32>
          %jit3A_305 = arith.constant 1.000000e+00 : f32
          %jit3A_306 = arith.constant 0.000000e+00 : f32
          %broadcast_in_dim3A_307 = vector.broadcast %jit3A_305 : f32 to vector<16xf32>
          %broadcast_in_dim3A_308 = vector.broadcast %jit3A_306 : f32 to vector<16xf32>
          %select_n3A_309 = arith.select %gt3A_299, %broadcast_in_dim3A_307, %broadcast_in_dim3A_308 : vector<16xi1>, vector<16xf32>
          %add3A_310 = arith.addf %convert_element_type3A_304, %select_n3A_309 : vector<16xf32>
          %sub3A_311 = arith.constant 1.000000e+00 : f32
          %sub3A_312 = vector.broadcast %sub3A_311 : f32 to vector<16xf32>
          %sub3A_313 = arith.subf %select_n3A_303, %sub3A_312 : vector<16xf32>
          %mul3A_314 = arith.mulf %sub3A_313, %sub3A_313 : vector<16xf32>
          %broadcast_in_dim3A_315 = arith.constant 0.0703768358 : f32
          %broadcast_in_dim3A_316 = vector.broadcast %broadcast_in_dim3A_315 : f32 to vector<16xf32>
          %mul3A_317 = arith.mulf %broadcast_in_dim3A_316, %sub3A_313 : vector<16xf32>
          %add3A_318 = arith.constant -0.115146101 : f32
          %add3A_319 = vector.broadcast %add3A_318 : f32 to vector<16xf32>
          %add3A_320 = arith.addf %mul3A_317, %add3A_319 : vector<16xf32>
          %mul3A_321 = arith.mulf %add3A_320, %sub3A_313 : vector<16xf32>
          %add3A_322 = arith.constant 0.116769984 : f32
          %add3A_323 = vector.broadcast %add3A_322 : f32 to vector<16xf32>
          %add3A_324 = arith.addf %mul3A_321, %add3A_323 : vector<16xf32>
          %mul3A_325 = arith.mulf %add3A_324, %sub3A_313 : vector<16xf32>
          %add3A_326 = arith.constant -0.12420141 : f32
          %add3A_327 = vector.broadcast %add3A_326 : f32 to vector<16xf32>
          %add3A_328 = arith.addf %mul3A_325, %add3A_327 : vector<16xf32>
          %mul3A_329 = arith.mulf %add3A_328, %sub3A_313 : vector<16xf32>
          %add3A_330 = arith.constant 0.142493233 : f32
          %add3A_331 = vector.broadcast %add3A_330 : f32 to vector<16xf32>
          %add3A_332 = arith.addf %mul3A_329, %add3A_331 : vector<16xf32>
          %mul3A_333 = arith.mulf %add3A_332, %sub3A_313 : vector<16xf32>
          %add3A_334 = arith.constant -0.166680574 : f32
          %add3A_335 = vector.broadcast %add3A_334 : f32 to vector<16xf32>
          %add3A_336 = arith.addf %mul3A_333, %add3A_335 : vector<16xf32>
          %mul3A_337 = arith.mulf %add3A_336, %sub3A_313 : vector<16xf32>
          %add3A_338 = arith.constant 0.199997142 : f32
          %add3A_339 = vector.broadcast %add3A_338 : f32 to vector<16xf32>
          %add3A_340 = arith.addf %mul3A_337, %add3A_339 : vector<16xf32>
          %mul3A_341 = arith.mulf %add3A_340, %sub3A_313 : vector<16xf32>
          %add3A_342 = arith.constant -0.24999994 : f32
          %add3A_343 = vector.broadcast %add3A_342 : f32 to vector<16xf32>
          %add3A_344 = arith.addf %mul3A_341, %add3A_343 : vector<16xf32>
          %mul3A_345 = arith.mulf %add3A_344, %sub3A_313 : vector<16xf32>
          %add3A_346 = arith.constant 0.333333313 : f32
          %add3A_347 = vector.broadcast %add3A_346 : f32 to vector<16xf32>
          %add3A_348 = arith.addf %mul3A_345, %add3A_347 : vector<16xf32>
          %mul3A_349 = arith.mulf %sub3A_313, %mul3A_314 : vector<16xf32>
          %mul3A_350 = arith.mulf %mul3A_349, %add3A_348 : vector<16xf32>
          %mul3A_351 = arith.constant 5.000000e-01 : f32
          %mul3A_352 = vector.broadcast %mul3A_351 : f32 to vector<16xf32>
          %mul3A_353 = arith.mulf %mul3A_352, %mul3A_314 : vector<16xf32>
          %sub3A_354 = arith.subf %mul3A_350, %mul3A_353 : vector<16xf32>
          %add3A_355 = arith.addf %sub3A_354, %sub3A_313 : vector<16xf32>
          %mul3A_356 = arith.constant 0.693147182 : f32
          %mul3A_357 = vector.broadcast %mul3A_356 : f32 to vector<16xf32>
          %mul3A_358 = arith.mulf %add3A_310, %mul3A_357 : vector<16xf32>
          %add3A_359 = arith.addf %add3A_355, %mul3A_358 : vector<16xf32>
          %gt3A_360 = arith.constant 2.000000e+01 : f32
          %gt3A_361 = vector.broadcast %gt3A_360 : f32 to vector<16xf32>
          %gt3A_362 = arith.cmpf ogt, %gather3A_275, %gt3A_361 : vector<16xf32>
          %select_n3A_363 = arith.select %gt3A_362, %gather3A_275, %add3A_359 : vector<16xi1>, vector<16xf32>
          %swap3A_364 = arith.index_cast %scan3A_88 : i32 to index
          %swap3A_365 = arith.constant 80 : index
          %swap3A_366 = tpu.vector_load %arg13[%swap3A_364, %swap3A_365] {strides = array<i32>} : memref<128x128xf32, #tpu.memory_space<vmem>>, vector<16xf32>,
          tpu.vector_store %arg13[%swap3A_364, %swap3A_365], %select_n3A_363 {strides = array<i32>} : memref<128x128xf32, #tpu.memory_space<vmem>>, vector<16xf32>,
          %add3A_367 = arith.constant 32 : i32
          %add3A_368 = vector.broadcast %add3A_367 : i32 to vector<16xi32>
          %add3A_369 = arith.addi %iota3A, %add3A_368 : vector<16xi32>
          %gather3A_370 = tpu.vector_load_idx %arg9[%add3A_369, %broadcast_in_dim3A_164] : memref<64x384xf32, #tpu.memory_space<vmem>>[vector<16xi32>, vector<16xi32>], vector<16xf32>,
          %swap3A_371 = arith.index_cast %scan3A_88 : i32 to index
          %swap3A_372 = arith.constant 32 : index
          %swap3A_373 = tpu.vector_load %arg13[%swap3A_371, %swap3A_372] {strides = array<i32>} : memref<128x128xf32, #tpu.memory_space<vmem>>, vector<16xf32>,
          tpu.vector_store %arg13[%swap3A_371, %swap3A_372], %gather3A_370 {strides = array<i32>} : memref<128x128xf32, #tpu.memory_space<vmem>>, vector<16xf32>,
          %gather3A_374 = tpu.vector_load_idx %arg10[%add3A_369, %broadcast_in_dim3A_164] : memref<64x384xf32, #tpu.memory_space<vmem>>[vector<16xi32>, vector<16xi32>], vector<16xf32>,
          %min3A_375 = arith.constant 2.000000e+01 : f32
          %min3A_376 = vector.broadcast %min3A_375 : f32 to vector<16xf32>
          %min3A_377 = arith.minimumf %gather3A_374, %min3A_376 : vector<16xf32>
          %exp3A_378 = math.exp %min3A_377 : vector<16xf32>
          %add3A_379 = arith.constant 1.000000e+00 : f32
          %add3A_380 = vector.broadcast %add3A_379 : f32 to vector<16xf32>
          %add3A_381 = arith.addf %add3A_380, %exp3A_378 : vector<16xf32>
          %bitcast_convert_type3A_382 = tpu.bitcast %add3A_381 : vector<16xf32> -> vector<16xi32>
          %shift_right_logical3A_383 = arith.constant 23 : i32
          %shift_right_logical3A_384 = vector.broadcast %shift_right_logical3A_383 : i32 to vector<16xi32>
          %shift_right_logical3A_385 = arith.shrui %bitcast_convert_type3A_382, %shift_right_logical3A_384 : vector<16xi32>
          %sub3A_386 = arith.constant 127 : i32
          %sub3A_387 = vector.broadcast %sub3A_386 : i32 to vector<16xi32>
          %sub3A_388 = arith.subi %shift_right_logical3A_385, %sub3A_387 : vector<16xi32>
          %and3A_389 = arith.constant 8388607 : i32
          %and3A_390 = vector.broadcast %and3A_389 : i32 to vector<16xi32>
          %and3A_391 = arith.andi %bitcast_convert_type3A_382, %and3A_390 : vector<16xi32>
          %or3A_392 = arith.constant 1065353216 : i32
          %or3A_393 = vector.broadcast %or3A_392 : i32 to vector<16xi32>
          %or3A_394 = arith.ori %and3A_391, %or3A_393 : vector<16xi32>
          %bitcast_convert_type3A_395 = tpu.bitcast %or3A_394 : vector<16xi32> -> vector<16xf32>
          %gt3A_396 = arith.constant 1.41421354 : f32
          %gt3A_397 = vector.broadcast %gt3A_396 : f32 to vector<16xf32>
          %gt3A_398 = arith.cmpf ogt, %bitcast_convert_type3A_395, %gt3A_397 : vector<16xf32>
          %mul3A_399 = arith.constant 5.000000e-01 : f32
          %mul3A_400 = vector.broadcast %mul3A_399 : f32 to vector<16xf32>
          %mul3A_401 = arith.mulf %bitcast_convert_type3A_395, %mul3A_400 : vector<16xf32>
          %select_n3A_402 = arith.select %gt3A_398, %mul3A_401, %bitcast_convert_type3A_395 : vector<16xi1>, vector<16xf32>
          %convert_element_type3A_403 = arith.sitofp %sub3A_388 : vector<16xi32> to vector<16xf32>
          %jit3A_404 = arith.constant 1.000000e+00 : f32
          %jit3A_405 = arith.constant 0.000000e+00 : f32
          %broadcast_in_dim3A_406 = vector.broadcast %jit3A_404 : f32 to vector<16xf32>
          %broadcast_in_dim3A_407 = vector.broadcast %jit3A_405 : f32 to vector<16xf32>
          %select_n3A_408 = arith.select %gt3A_398, %broadcast_in_dim3A_406, %broadcast_in_dim3A_407 : vector<16xi1>, vector<16xf32>
          %add3A_409 = arith.addf %convert_element_type3A_403, %select_n3A_408 : vector<16xf32>
          %sub3A_410 = arith.constant 1.000000e+00 : f32
          %sub3A_411 = vector.broadcast %sub3A_410 : f32 to vector<16xf32>
          %sub3A_412 = arith.subf %select_n3A_402, %sub3A_411 : vector<16xf32>
          %mul3A_413 = arith.mulf %sub3A_412, %sub3A_412 : vector<16xf32>
          %broadcast_in_dim3A_414 = arith.constant 0.0703768358 : f32
          %broadcast_in_dim3A_415 = vector.broadcast %broadcast_in_dim3A_414 : f32 to vector<16xf32>
          %mul3A_416 = arith.mulf %broadcast_in_dim3A_415, %sub3A_412 : vector<16xf32>
          %add3A_417 = arith.constant -0.115146101 : f32
          %add3A_418 = vector.broadcast %add3A_417 : f32 to vector<16xf32>
          %add3A_419 = arith.addf %mul3A_416, %add3A_418 : vector<16xf32>
          %mul3A_420 = arith.mulf %add3A_419, %sub3A_412 : vector<16xf32>
          %add3A_421 = arith.constant 0.116769984 : f32
          %add3A_422 = vector.broadcast %add3A_421 : f32 to vector<16xf32>
          %add3A_423 = arith.addf %mul3A_420, %add3A_422 : vector<16xf32>
          %mul3A_424 = arith.mulf %add3A_423, %sub3A_412 : vector<16xf32>
          %add3A_425 = arith.constant -0.12420141 : f32
          %add3A_426 = vector.broadcast %add3A_425 : f32 to vector<16xf32>
          %add3A_427 = arith.addf %mul3A_424, %add3A_426 : vector<16xf32>
          %mul3A_428 = arith.mulf %add3A_427, %sub3A_412 : vector<16xf32>
          %add3A_429 = arith.constant 0.142493233 : f32
          %add3A_430 = vector.broadcast %add3A_429 : f32 to vector<16xf32>
          %add3A_431 = arith.addf %mul3A_428, %add3A_430 : vector<16xf32>
          %mul3A_432 = arith.mulf %add3A_431, %sub3A_412 : vector<16xf32>
          %add3A_433 = arith.constant -0.166680574 : f32
          %add3A_434 = vector.broadcast %add3A_433 : f32 to vector<16xf32>
          %add3A_435 = arith.addf %mul3A_432, %add3A_434 : vector<16xf32>
          %mul3A_436 = arith.mulf %add3A_435, %sub3A_412 : vector<16xf32>
          %add3A_437 = arith.constant 0.199997142 : f32
          %add3A_438 = vector.broadcast %add3A_437 : f32 to vector<16xf32>
          %add3A_439 = arith.addf %mul3A_436, %add3A_438 : vector<16xf32>
          %mul3A_440 = arith.mulf %add3A_439, %sub3A_412 : vector<16xf32>
          %add3A_441 = arith.constant -0.24999994 : f32
          %add3A_442 = vector.broadcast %add3A_441 : f32 to vector<16xf32>
          %add3A_443 = arith.addf %mul3A_440, %add3A_442 : vector<16xf32>
          %mul3A_444 = arith.mulf %add3A_443, %sub3A_412 : vector<16xf32>
          %add3A_445 = arith.constant 0.333333313 : f32
          %add3A_446 = vector.broadcast %add3A_445 : f32 to vector<16xf32>
          %add3A_447 = arith.addf %mul3A_444, %add3A_446 : vector<16xf32>
          %mul3A_448 = arith.mulf %sub3A_412, %mul3A_413 : vector<16xf32>
          %mul3A_449 = arith.mulf %mul3A_448, %add3A_447 : vector<16xf32>
          %mul3A_450 = arith.constant 5.000000e-01 : f32
          %mul3A_451 = vector.broadcast %mul3A_450 : f32 to vector<16xf32>
          %mul3A_452 = arith.mulf %mul3A_451, %mul3A_413 : vector<16xf32>
          %sub3A_453 = arith.subf %mul3A_449, %mul3A_452 : vector<16xf32>
          %add3A_454 = arith.addf %sub3A_453, %sub3A_412 : vector<16xf32>
          %mul3A_455 = arith.constant 0.693147182 : f32
          %mul3A_456 = vector.broadcast %mul3A_455 : f32 to vector<16xf32>
          %mul3A_457 = arith.mulf %add3A_409, %mul3A_456 : vector<16xf32>
          %add3A_458 = arith.addf %add3A_454, %mul3A_457 : vector<16xf32>
          %gt3A_459 = arith.constant 2.000000e+01 : f32
          %gt3A_460 = vector.broadcast %gt3A_459 : f32 to vector<16xf32>
          %gt3A_461 = arith.cmpf ogt, %gather3A_374, %gt3A_460 : vector<16xf32>
          %select_n3A_462 = arith.select %gt3A_461, %gather3A_374, %add3A_458 : vector<16xi1>, vector<16xf32>
          %swap3A_463 = arith.index_cast %scan3A_88 : i32 to index
          %swap3A_464 = arith.constant 96 : index
          %swap3A_465 = tpu.vector_load %arg13[%swap3A_463, %swap3A_464] {strides = array<i32>} : memref<128x128xf32, #tpu.memory_space<vmem>>, vector<16xf32>,
          tpu.vector_store %arg13[%swap3A_463, %swap3A_464], %select_n3A_462 {strides = array<i32>} : memref<128x128xf32, #tpu.memory_space<vmem>>, vector<16xf32>,
          %add3A_466 = arith.constant 48 : i32
          %add3A_467 = vector.broadcast %add3A_466 : i32 to vector<16xi32>
          %add3A_468 = arith.addi %iota3A, %add3A_467 : vector<16xi32>
          %gather3A_469 = tpu.vector_load_idx %arg9[%add3A_468, %broadcast_in_dim3A_164] : memref<64x384xf32, #tpu.memory_space<vmem>>[vector<16xi32>, vector<16xi32>], vector<16xf32>,
          %swap3A_470 = arith.index_cast %scan3A_88 : i32 to index
          %swap3A_471 = arith.constant 48 : index
          %swap3A_472 = tpu.vector_load %arg13[%swap3A_470, %swap3A_471] {strides = array<i32>} : memref<128x128xf32, #tpu.memory_space<vmem>>, vector<16xf32>,
          tpu.vector_store %arg13[%swap3A_470, %swap3A_471], %gather3A_469 {strides = array<i32>} : memref<128x128xf32, #tpu.memory_space<vmem>>, vector<16xf32>,
          %gather3A_473 = tpu.vector_load_idx %arg10[%add3A_468, %broadcast_in_dim3A_164] : memref<64x384xf32, #tpu.memory_space<vmem>>[vector<16xi32>, vector<16xi32>], vector<16xf32>,
          %min3A_474 = arith.constant 2.000000e+01 : f32
          %min3A_475 = vector.broadcast %min3A_474 : f32 to vector<16xf32>
          %min3A_476 = arith.minimumf %gather3A_473, %min3A_475 : vector<16xf32>
          %exp3A_477 = math.exp %min3A_476 : vector<16xf32>
          %add3A_478 = arith.constant 1.000000e+00 : f32
          %add3A_479 = vector.broadcast %add3A_478 : f32 to vector<16xf32>
          %add3A_480 = arith.addf %add3A_479, %exp3A_477 : vector<16xf32>
          %bitcast_convert_type3A_481 = tpu.bitcast %add3A_480 : vector<16xf32> -> vector<16xi32>
          %shift_right_logical3A_482 = arith.constant 23 : i32
          %shift_right_logical3A_483 = vector.broadcast %shift_right_logical3A_482 : i32 to vector<16xi32>
          %shift_right_logical3A_484 = arith.shrui %bitcast_convert_type3A_481, %shift_right_logical3A_483 : vector<16xi32>
          %sub3A_485 = arith.constant 127 : i32
          %sub3A_486 = vector.broadcast %sub3A_485 : i32 to vector<16xi32>
          %sub3A_487 = arith.subi %shift_right_logical3A_484, %sub3A_486 : vector<16xi32>
          %and3A_488 = arith.constant 8388607 : i32
          %and3A_489 = vector.broadcast %and3A_488 : i32 to vector<16xi32>
          %and3A_490 = arith.andi %bitcast_convert_type3A_481, %and3A_489 : vector<16xi32>
          %or3A_491 = arith.constant 1065353216 : i32
          %or3A_492 = vector.broadcast %or3A_491 : i32 to vector<16xi32>
          %or3A_493 = arith.ori %and3A_490, %or3A_492 : vector<16xi32>
          %bitcast_convert_type3A_494 = tpu.bitcast %or3A_493 : vector<16xi32> -> vector<16xf32>
          %gt3A_495 = arith.constant 1.41421354 : f32
          %gt3A_496 = vector.broadcast %gt3A_495 : f32 to vector<16xf32>
          %gt3A_497 = arith.cmpf ogt, %bitcast_convert_type3A_494, %gt3A_496 : vector<16xf32>
          %mul3A_498 = arith.constant 5.000000e-01 : f32
          %mul3A_499 = vector.broadcast %mul3A_498 : f32 to vector<16xf32>
          %mul3A_500 = arith.mulf %bitcast_convert_type3A_494, %mul3A_499 : vector<16xf32>
          %select_n3A_501 = arith.select %gt3A_497, %mul3A_500, %bitcast_convert_type3A_494 : vector<16xi1>, vector<16xf32>
          %convert_element_type3A_502 = arith.sitofp %sub3A_487 : vector<16xi32> to vector<16xf32>
          %jit3A_503 = arith.constant 1.000000e+00 : f32
          %jit3A_504 = arith.constant 0.000000e+00 : f32
          %broadcast_in_dim3A_505 = vector.broadcast %jit3A_503 : f32 to vector<16xf32>
          %broadcast_in_dim3A_506 = vector.broadcast %jit3A_504 : f32 to vector<16xf32>
          %select_n3A_507 = arith.select %gt3A_497, %broadcast_in_dim3A_505, %broadcast_in_dim3A_506 : vector<16xi1>, vector<16xf32>
          %add3A_508 = arith.addf %convert_element_type3A_502, %select_n3A_507 : vector<16xf32>
          %sub3A_509 = arith.constant 1.000000e+00 : f32
          %sub3A_510 = vector.broadcast %sub3A_509 : f32 to vector<16xf32>
          %sub3A_511 = arith.subf %select_n3A_501, %sub3A_510 : vector<16xf32>
          %mul3A_512 = arith.mulf %sub3A_511, %sub3A_511 : vector<16xf32>
          %broadcast_in_dim3A_513 = arith.constant 0.0703768358 : f32
          %broadcast_in_dim3A_514 = vector.broadcast %broadcast_in_dim3A_513 : f32 to vector<16xf32>
          %mul3A_515 = arith.mulf %broadcast_in_dim3A_514, %sub3A_511 : vector<16xf32>
          %add3A_516 = arith.constant -0.115146101 : f32
          %add3A_517 = vector.broadcast %add3A_516 : f32 to vector<16xf32>
          %add3A_518 = arith.addf %mul3A_515, %add3A_517 : vector<16xf32>
          %mul3A_519 = arith.mulf %add3A_518, %sub3A_511 : vector<16xf32>
          %add3A_520 = arith.constant 0.116769984 : f32
          %add3A_521 = vector.broadcast %add3A_520 : f32 to vector<16xf32>
          %add3A_522 = arith.addf %mul3A_519, %add3A_521 : vector<16xf32>
          %mul3A_523 = arith.mulf %add3A_522, %sub3A_511 : vector<16xf32>
          %add3A_524 = arith.constant -0.12420141 : f32
          %add3A_525 = vector.broadcast %add3A_524 : f32 to vector<16xf32>
          %add3A_526 = arith.addf %mul3A_523, %add3A_525 : vector<16xf32>
          %mul3A_527 = arith.mulf %add3A_526, %sub3A_511 : vector<16xf32>
          %add3A_528 = arith.constant 0.142493233 : f32
          %add3A_529 = vector.broadcast %add3A_528 : f32 to vector<16xf32>
          %add3A_530 = arith.addf %mul3A_527, %add3A_529 : vector<16xf32>
          %mul3A_531 = arith.mulf %add3A_530, %sub3A_511 : vector<16xf32>
          %add3A_532 = arith.constant -0.166680574 : f32
          %add3A_533 = vector.broadcast %add3A_532 : f32 to vector<16xf32>
          %add3A_534 = arith.addf %mul3A_531, %add3A_533 : vector<16xf32>
          %mul3A_535 = arith.mulf %add3A_534, %sub3A_511 : vector<16xf32>
          %add3A_536 = arith.constant 0.199997142 : f32
          %add3A_537 = vector.broadcast %add3A_536 : f32 to vector<16xf32>
          %add3A_538 = arith.addf %mul3A_535, %add3A_537 : vector<16xf32>
          %mul3A_539 = arith.mulf %add3A_538, %sub3A_511 : vector<16xf32>
          %add3A_540 = arith.constant -0.24999994 : f32
          %add3A_541 = vector.broadcast %add3A_540 : f32 to vector<16xf32>
          %add3A_542 = arith.addf %mul3A_539, %add3A_541 : vector<16xf32>
          %mul3A_543 = arith.mulf %add3A_542, %sub3A_511 : vector<16xf32>
          %add3A_544 = arith.constant 0.333333313 : f32
          %add3A_545 = vector.broadcast %add3A_544 : f32 to vector<16xf32>
          %add3A_546 = arith.addf %mul3A_543, %add3A_545 : vector<16xf32>
          %mul3A_547 = arith.mulf %sub3A_511, %mul3A_512 : vector<16xf32>
          %mul3A_548 = arith.mulf %mul3A_547, %add3A_546 : vector<16xf32>
          %mul3A_549 = arith.constant 5.000000e-01 : f32
          %mul3A_550 = vector.broadcast %mul3A_549 : f32 to vector<16xf32>
          %mul3A_551 = arith.mulf %mul3A_550, %mul3A_512 : vector<16xf32>
          %sub3A_552 = arith.subf %mul3A_548, %mul3A_551 : vector<16xf32>
          %add3A_553 = arith.addf %sub3A_552, %sub3A_511 : vector<16xf32>
          %mul3A_554 = arith.constant 0.693147182 : f32
          %mul3A_555 = vector.broadcast %mul3A_554 : f32 to vector<16xf32>
          %mul3A_556 = arith.mulf %add3A_508, %mul3A_555 : vector<16xf32>
          %add3A_557 = arith.addf %add3A_553, %mul3A_556 : vector<16xf32>
          %gt3A_558 = arith.constant 2.000000e+01 : f32
          %gt3A_559 = vector.broadcast %gt3A_558 : f32 to vector<16xf32>
          %gt3A_560 = arith.cmpf ogt, %gather3A_473, %gt3A_559 : vector<16xf32>
          %select_n3A_561 = arith.select %gt3A_560, %gather3A_473, %add3A_557 : vector<16xi1>, vector<16xf32>
          %swap3A_562 = arith.index_cast %scan3A_88 : i32 to index
          %swap3A_563 = arith.constant 112 : index
          %swap3A_564 = tpu.vector_load %arg13[%swap3A_562, %swap3A_563] {strides = array<i32>} : memref<128x128xf32, #tpu.memory_space<vmem>>, vector<16xf32>,
          tpu.vector_store %arg13[%swap3A_562, %swap3A_563], %select_n3A_561 {strides = array<i32>} : memref<128x128xf32, #tpu.memory_space<vmem>>, vector<16xf32>,
        } else {
        }
        %not3A_170 = arith.constant true
        %not3A_171 = arith.xori %eq3A_129, %not3A_170 : i1
        %convert_element_type3A_172 = arith.extui %not3A_171 : i1 to i32
        %cond3A_173 = arith.constant 0 : i32
        %cond3A_174 = arith.cmpi ne, %convert_element_type3A_172, %cond3A_173 : i32
        scf.if %cond3A_174 {
          %add3A_176 = arith.constant 0 : i32
          %add3A_177 = vector.broadcast %add3A_176 : i32 to vector<16xi32>
          %add3A_178 = arith.addi %iota3A, %add3A_177 : vector<16xi32>
          %gather3A = tpu.vector_load_idx %arg11[%add3A_178, %broadcast_in_dim3A_164] : memref<64x384xf32, #tpu.memory_space<vmem>>[vector<16xi32>, vector<16xi32>], vector<16xf32>,
          %swap3A = arith.index_cast %scan3A_88 : i32 to index
          %swap3A_179 = arith.constant 0 : index
          %swap3A_180 = tpu.vector_load %arg13[%swap3A, %swap3A_179] {strides = array<i32>} : memref<128x128xf32, #tpu.memory_space<vmem>>, vector<16xf32>,
          tpu.vector_store %arg13[%swap3A, %swap3A_179], %gather3A {strides = array<i32>} : memref<128x128xf32, #tpu.memory_space<vmem>>, vector<16xf32>,
          %gather3A_181 = tpu.vector_load_idx %arg12[%add3A_178, %broadcast_in_dim3A_164] : memref<64x384xf32, #tpu.memory_space<vmem>>[vector<16xi32>, vector<16xi32>], vector<16xf32>,
          %min3A_182 = arith.constant 2.000000e+01 : f32
          %min3A_183 = vector.broadcast %min3A_182 : f32 to vector<16xf32>
          %min3A_184 = arith.minimumf %gather3A_181, %min3A_183 : vector<16xf32>
          %exp3A = math.exp %min3A_184 : vector<16xf32>
          %add3A_185 = arith.constant 1.000000e+00 : f32
          %add3A_186 = vector.broadcast %add3A_185 : f32 to vector<16xf32>
          %add3A_187 = arith.addf %add3A_186, %exp3A : vector<16xf32>
          %bitcast_convert_type3A = tpu.bitcast %add3A_187 : vector<16xf32> -> vector<16xi32>
          %shift_right_logical3A = arith.constant 23 : i32
          %shift_right_logical3A_188 = vector.broadcast %shift_right_logical3A : i32 to vector<16xi32>
          %shift_right_logical3A_189 = arith.shrui %bitcast_convert_type3A, %shift_right_logical3A_188 : vector<16xi32>
          %sub3A_190 = arith.constant 127 : i32
          %sub3A_191 = vector.broadcast %sub3A_190 : i32 to vector<16xi32>
          %sub3A_192 = arith.subi %shift_right_logical3A_189, %sub3A_191 : vector<16xi32>
          %and3A_193 = arith.constant 8388607 : i32
          %and3A_194 = vector.broadcast %and3A_193 : i32 to vector<16xi32>
          %and3A_195 = arith.andi %bitcast_convert_type3A, %and3A_194 : vector<16xi32>
          %or3A = arith.constant 1065353216 : i32
          %or3A_196 = vector.broadcast %or3A : i32 to vector<16xi32>
          %or3A_197 = arith.ori %and3A_195, %or3A_196 : vector<16xi32>
          %bitcast_convert_type3A_198 = tpu.bitcast %or3A_197 : vector<16xi32> -> vector<16xf32>
          %gt3A = arith.constant 1.41421354 : f32
          %gt3A_199 = vector.broadcast %gt3A : f32 to vector<16xf32>
          %gt3A_200 = arith.cmpf ogt, %bitcast_convert_type3A_198, %gt3A_199 : vector<16xf32>
          %mul3A_201 = arith.constant 5.000000e-01 : f32
          %mul3A_202 = vector.broadcast %mul3A_201 : f32 to vector<16xf32>
          %mul3A_203 = arith.mulf %bitcast_convert_type3A_198, %mul3A_202 : vector<16xf32>
          %select_n3A_204 = arith.select %gt3A_200, %mul3A_203, %bitcast_convert_type3A_198 : vector<16xi1>, vector<16xf32>
          %convert_element_type3A_205 = arith.sitofp %sub3A_192 : vector<16xi32> to vector<16xf32>
          %jit3A_206 = arith.constant 1.000000e+00 : f32
          %jit3A_207 = arith.constant 0.000000e+00 : f32
          %broadcast_in_dim3A_208 = vector.broadcast %jit3A_206 : f32 to vector<16xf32>
          %broadcast_in_dim3A_209 = vector.broadcast %jit3A_207 : f32 to vector<16xf32>
          %select_n3A_210 = arith.select %gt3A_200, %broadcast_in_dim3A_208, %broadcast_in_dim3A_209 : vector<16xi1>, vector<16xf32>
          %add3A_211 = arith.addf %convert_element_type3A_205, %select_n3A_210 : vector<16xf32>
          %sub3A_212 = arith.constant 1.000000e+00 : f32
          %sub3A_213 = vector.broadcast %sub3A_212 : f32 to vector<16xf32>
          %sub3A_214 = arith.subf %select_n3A_204, %sub3A_213 : vector<16xf32>
          %mul3A_215 = arith.mulf %sub3A_214, %sub3A_214 : vector<16xf32>
          %broadcast_in_dim3A_216 = arith.constant 0.0703768358 : f32
          %broadcast_in_dim3A_217 = vector.broadcast %broadcast_in_dim3A_216 : f32 to vector<16xf32>
          %mul3A_218 = arith.mulf %broadcast_in_dim3A_217, %sub3A_214 : vector<16xf32>
          %add3A_219 = arith.constant -0.115146101 : f32
          %add3A_220 = vector.broadcast %add3A_219 : f32 to vector<16xf32>
          %add3A_221 = arith.addf %mul3A_218, %add3A_220 : vector<16xf32>
          %mul3A_222 = arith.mulf %add3A_221, %sub3A_214 : vector<16xf32>
          %add3A_223 = arith.constant 0.116769984 : f32
          %add3A_224 = vector.broadcast %add3A_223 : f32 to vector<16xf32>
          %add3A_225 = arith.addf %mul3A_222, %add3A_224 : vector<16xf32>
          %mul3A_226 = arith.mulf %add3A_225, %sub3A_214 : vector<16xf32>
          %add3A_227 = arith.constant -0.12420141 : f32
          %add3A_228 = vector.broadcast %add3A_227 : f32 to vector<16xf32>
          %add3A_229 = arith.addf %mul3A_226, %add3A_228 : vector<16xf32>
          %mul3A_230 = arith.mulf %add3A_229, %sub3A_214 : vector<16xf32>
          %add3A_231 = arith.constant 0.142493233 : f32
          %add3A_232 = vector.broadcast %add3A_231 : f32 to vector<16xf32>
          %add3A_233 = arith.addf %mul3A_230, %add3A_232 : vector<16xf32>
          %mul3A_234 = arith.mulf %add3A_233, %sub3A_214 : vector<16xf32>
          %add3A_235 = arith.constant -0.166680574 : f32
          %add3A_236 = vector.broadcast %add3A_235 : f32 to vector<16xf32>
          %add3A_237 = arith.addf %mul3A_234, %add3A_236 : vector<16xf32>
          %mul3A_238 = arith.mulf %add3A_237, %sub3A_214 : vector<16xf32>
          %add3A_239 = arith.constant 0.199997142 : f32
          %add3A_240 = vector.broadcast %add3A_239 : f32 to vector<16xf32>
          %add3A_241 = arith.addf %mul3A_238, %add3A_240 : vector<16xf32>
          %mul3A_242 = arith.mulf %add3A_241, %sub3A_214 : vector<16xf32>
          %add3A_243 = arith.constant -0.24999994 : f32
          %add3A_244 = vector.broadcast %add3A_243 : f32 to vector<16xf32>
          %add3A_245 = arith.addf %mul3A_242, %add3A_244 : vector<16xf32>
          %mul3A_246 = arith.mulf %add3A_245, %sub3A_214 : vector<16xf32>
          %add3A_247 = arith.constant 0.333333313 : f32
          %add3A_248 = vector.broadcast %add3A_247 : f32 to vector<16xf32>
          %add3A_249 = arith.addf %mul3A_246, %add3A_248 : vector<16xf32>
          %mul3A_250 = arith.mulf %sub3A_214, %mul3A_215 : vector<16xf32>
          %mul3A_251 = arith.mulf %mul3A_250, %add3A_249 : vector<16xf32>
          %mul3A_252 = arith.constant 5.000000e-01 : f32
          %mul3A_253 = vector.broadcast %mul3A_252 : f32 to vector<16xf32>
          %mul3A_254 = arith.mulf %mul3A_253, %mul3A_215 : vector<16xf32>
          %sub3A_255 = arith.subf %mul3A_251, %mul3A_254 : vector<16xf32>
          %add3A_256 = arith.addf %sub3A_255, %sub3A_214 : vector<16xf32>
          %mul3A_257 = arith.constant 0.693147182 : f32
          %mul3A_258 = vector.broadcast %mul3A_257 : f32 to vector<16xf32>
          %mul3A_259 = arith.mulf %add3A_211, %mul3A_258 : vector<16xf32>
          %add3A_260 = arith.addf %add3A_256, %mul3A_259 : vector<16xf32>
          %gt3A_261 = arith.constant 2.000000e+01 : f32
          %gt3A_262 = vector.broadcast %gt3A_261 : f32 to vector<16xf32>
          %gt3A_263 = arith.cmpf ogt, %gather3A_181, %gt3A_262 : vector<16xf32>
          %select_n3A_264 = arith.select %gt3A_263, %gather3A_181, %add3A_260 : vector<16xi1>, vector<16xf32>
          %swap3A_265 = arith.index_cast %scan3A_88 : i32 to index
          %swap3A_266 = arith.constant 64 : index
          %swap3A_267 = tpu.vector_load %arg13[%swap3A_265, %swap3A_266] {strides = array<i32>} : memref<128x128xf32, #tpu.memory_space<vmem>>, vector<16xf32>,
          tpu.vector_store %arg13[%swap3A_265, %swap3A_266], %select_n3A_264 {strides = array<i32>} : memref<128x128xf32, #tpu.memory_space<vmem>>, vector<16xf32>,
          %add3A_268 = arith.constant 16 : i32
          %add3A_269 = vector.broadcast %add3A_268 : i32 to vector<16xi32>
          %add3A_270 = arith.addi %iota3A, %add3A_269 : vector<16xi32>
          %gather3A_271 = tpu.vector_load_idx %arg11[%add3A_270, %broadcast_in_dim3A_164] : memref<64x384xf32, #tpu.memory_space<vmem>>[vector<16xi32>, vector<16xi32>], vector<16xf32>,
          %swap3A_272 = arith.index_cast %scan3A_88 : i32 to index
          %swap3A_273 = arith.constant 16 : index
          %swap3A_274 = tpu.vector_load %arg13[%swap3A_272, %swap3A_273] {strides = array<i32>} : memref<128x128xf32, #tpu.memory_space<vmem>>, vector<16xf32>,
          tpu.vector_store %arg13[%swap3A_272, %swap3A_273], %gather3A_271 {strides = array<i32>} : memref<128x128xf32, #tpu.memory_space<vmem>>, vector<16xf32>,
          %gather3A_275 = tpu.vector_load_idx %arg12[%add3A_270, %broadcast_in_dim3A_164] : memref<64x384xf32, #tpu.memory_space<vmem>>[vector<16xi32>, vector<16xi32>], vector<16xf32>,
          %min3A_276 = arith.constant 2.000000e+01 : f32
          %min3A_277 = vector.broadcast %min3A_276 : f32 to vector<16xf32>
          %min3A_278 = arith.minimumf %gather3A_275, %min3A_277 : vector<16xf32>
          %exp3A_279 = math.exp %min3A_278 : vector<16xf32>
          %add3A_280 = arith.constant 1.000000e+00 : f32
          %add3A_281 = vector.broadcast %add3A_280 : f32 to vector<16xf32>
          %add3A_282 = arith.addf %add3A_281, %exp3A_279 : vector<16xf32>
          %bitcast_convert_type3A_283 = tpu.bitcast %add3A_282 : vector<16xf32> -> vector<16xi32>
          %shift_right_logical3A_284 = arith.constant 23 : i32
          %shift_right_logical3A_285 = vector.broadcast %shift_right_logical3A_284 : i32 to vector<16xi32>
          %shift_right_logical3A_286 = arith.shrui %bitcast_convert_type3A_283, %shift_right_logical3A_285 : vector<16xi32>
          %sub3A_287 = arith.constant 127 : i32
          %sub3A_288 = vector.broadcast %sub3A_287 : i32 to vector<16xi32>
          %sub3A_289 = arith.subi %shift_right_logical3A_286, %sub3A_288 : vector<16xi32>
          %and3A_290 = arith.constant 8388607 : i32
          %and3A_291 = vector.broadcast %and3A_290 : i32 to vector<16xi32>
          %and3A_292 = arith.andi %bitcast_convert_type3A_283, %and3A_291 : vector<16xi32>
          %or3A_293 = arith.constant 1065353216 : i32
          %or3A_294 = vector.broadcast %or3A_293 : i32 to vector<16xi32>
          %or3A_295 = arith.ori %and3A_292, %or3A_294 : vector<16xi32>
          %bitcast_convert_type3A_296 = tpu.bitcast %or3A_295 : vector<16xi32> -> vector<16xf32>
          %gt3A_297 = arith.constant 1.41421354 : f32
          %gt3A_298 = vector.broadcast %gt3A_297 : f32 to vector<16xf32>
          %gt3A_299 = arith.cmpf ogt, %bitcast_convert_type3A_296, %gt3A_298 : vector<16xf32>
          %mul3A_300 = arith.constant 5.000000e-01 : f32
          %mul3A_301 = vector.broadcast %mul3A_300 : f32 to vector<16xf32>
          %mul3A_302 = arith.mulf %bitcast_convert_type3A_296, %mul3A_301 : vector<16xf32>
          %select_n3A_303 = arith.select %gt3A_299, %mul3A_302, %bitcast_convert_type3A_296 : vector<16xi1>, vector<16xf32>
          %convert_element_type3A_304 = arith.sitofp %sub3A_289 : vector<16xi32> to vector<16xf32>
          %jit3A_305 = arith.constant 1.000000e+00 : f32
          %jit3A_306 = arith.constant 0.000000e+00 : f32
          %broadcast_in_dim3A_307 = vector.broadcast %jit3A_305 : f32 to vector<16xf32>
          %broadcast_in_dim3A_308 = vector.broadcast %jit3A_306 : f32 to vector<16xf32>
          %select_n3A_309 = arith.select %gt3A_299, %broadcast_in_dim3A_307, %broadcast_in_dim3A_308 : vector<16xi1>, vector<16xf32>
          %add3A_310 = arith.addf %convert_element_type3A_304, %select_n3A_309 : vector<16xf32>
          %sub3A_311 = arith.constant 1.000000e+00 : f32
          %sub3A_312 = vector.broadcast %sub3A_311 : f32 to vector<16xf32>
          %sub3A_313 = arith.subf %select_n3A_303, %sub3A_312 : vector<16xf32>
          %mul3A_314 = arith.mulf %sub3A_313, %sub3A_313 : vector<16xf32>
          %broadcast_in_dim3A_315 = arith.constant 0.0703768358 : f32
          %broadcast_in_dim3A_316 = vector.broadcast %broadcast_in_dim3A_315 : f32 to vector<16xf32>
          %mul3A_317 = arith.mulf %broadcast_in_dim3A_316, %sub3A_313 : vector<16xf32>
          %add3A_318 = arith.constant -0.115146101 : f32
          %add3A_319 = vector.broadcast %add3A_318 : f32 to vector<16xf32>
          %add3A_320 = arith.addf %mul3A_317, %add3A_319 : vector<16xf32>
          %mul3A_321 = arith.mulf %add3A_320, %sub3A_313 : vector<16xf32>
          %add3A_322 = arith.constant 0.116769984 : f32
          %add3A_323 = vector.broadcast %add3A_322 : f32 to vector<16xf32>
          %add3A_324 = arith.addf %mul3A_321, %add3A_323 : vector<16xf32>
          %mul3A_325 = arith.mulf %add3A_324, %sub3A_313 : vector<16xf32>
          %add3A_326 = arith.constant -0.12420141 : f32
          %add3A_327 = vector.broadcast %add3A_326 : f32 to vector<16xf32>
          %add3A_328 = arith.addf %mul3A_325, %add3A_327 : vector<16xf32>
          %mul3A_329 = arith.mulf %add3A_328, %sub3A_313 : vector<16xf32>
          %add3A_330 = arith.constant 0.142493233 : f32
          %add3A_331 = vector.broadcast %add3A_330 : f32 to vector<16xf32>
          %add3A_332 = arith.addf %mul3A_329, %add3A_331 : vector<16xf32>
          %mul3A_333 = arith.mulf %add3A_332, %sub3A_313 : vector<16xf32>
          %add3A_334 = arith.constant -0.166680574 : f32
          %add3A_335 = vector.broadcast %add3A_334 : f32 to vector<16xf32>
          %add3A_336 = arith.addf %mul3A_333, %add3A_335 : vector<16xf32>
          %mul3A_337 = arith.mulf %add3A_336, %sub3A_313 : vector<16xf32>
          %add3A_338 = arith.constant 0.199997142 : f32
          %add3A_339 = vector.broadcast %add3A_338 : f32 to vector<16xf32>
          %add3A_340 = arith.addf %mul3A_337, %add3A_339 : vector<16xf32>
          %mul3A_341 = arith.mulf %add3A_340, %sub3A_313 : vector<16xf32>
          %add3A_342 = arith.constant -0.24999994 : f32
          %add3A_343 = vector.broadcast %add3A_342 : f32 to vector<16xf32>
          %add3A_344 = arith.addf %mul3A_341, %add3A_343 : vector<16xf32>
          %mul3A_345 = arith.mulf %add3A_344, %sub3A_313 : vector<16xf32>
          %add3A_346 = arith.constant 0.333333313 : f32
          %add3A_347 = vector.broadcast %add3A_346 : f32 to vector<16xf32>
          %add3A_348 = arith.addf %mul3A_345, %add3A_347 : vector<16xf32>
          %mul3A_349 = arith.mulf %sub3A_313, %mul3A_314 : vector<16xf32>
          %mul3A_350 = arith.mulf %mul3A_349, %add3A_348 : vector<16xf32>
          %mul3A_351 = arith.constant 5.000000e-01 : f32
          %mul3A_352 = vector.broadcast %mul3A_351 : f32 to vector<16xf32>
          %mul3A_353 = arith.mulf %mul3A_352, %mul3A_314 : vector<16xf32>
          %sub3A_354 = arith.subf %mul3A_350, %mul3A_353 : vector<16xf32>
          %add3A_355 = arith.addf %sub3A_354, %sub3A_313 : vector<16xf32>
          %mul3A_356 = arith.constant 0.693147182 : f32
          %mul3A_357 = vector.broadcast %mul3A_356 : f32 to vector<16xf32>
          %mul3A_358 = arith.mulf %add3A_310, %mul3A_357 : vector<16xf32>
          %add3A_359 = arith.addf %add3A_355, %mul3A_358 : vector<16xf32>
          %gt3A_360 = arith.constant 2.000000e+01 : f32
          %gt3A_361 = vector.broadcast %gt3A_360 : f32 to vector<16xf32>
          %gt3A_362 = arith.cmpf ogt, %gather3A_275, %gt3A_361 : vector<16xf32>
          %select_n3A_363 = arith.select %gt3A_362, %gather3A_275, %add3A_359 : vector<16xi1>, vector<16xf32>
          %swap3A_364 = arith.index_cast %scan3A_88 : i32 to index
          %swap3A_365 = arith.constant 80 : index
          %swap3A_366 = tpu.vector_load %arg13[%swap3A_364, %swap3A_365] {strides = array<i32>} : memref<128x128xf32, #tpu.memory_space<vmem>>, vector<16xf32>,
          tpu.vector_store %arg13[%swap3A_364, %swap3A_365], %select_n3A_363 {strides = array<i32>} : memref<128x128xf32, #tpu.memory_space<vmem>>, vector<16xf32>,
          %add3A_367 = arith.constant 32 : i32
          %add3A_368 = vector.broadcast %add3A_367 : i32 to vector<16xi32>
          %add3A_369 = arith.addi %iota3A, %add3A_368 : vector<16xi32>
          %gather3A_370 = tpu.vector_load_idx %arg11[%add3A_369, %broadcast_in_dim3A_164] : memref<64x384xf32, #tpu.memory_space<vmem>>[vector<16xi32>, vector<16xi32>], vector<16xf32>,
          %swap3A_371 = arith.index_cast %scan3A_88 : i32 to index
          %swap3A_372 = arith.constant 32 : index
          %swap3A_373 = tpu.vector_load %arg13[%swap3A_371, %swap3A_372] {strides = array<i32>} : memref<128x128xf32, #tpu.memory_space<vmem>>, vector<16xf32>,
          tpu.vector_store %arg13[%swap3A_371, %swap3A_372], %gather3A_370 {strides = array<i32>} : memref<128x128xf32, #tpu.memory_space<vmem>>, vector<16xf32>,
          %gather3A_374 = tpu.vector_load_idx %arg12[%add3A_369, %broadcast_in_dim3A_164] : memref<64x384xf32, #tpu.memory_space<vmem>>[vector<16xi32>, vector<16xi32>], vector<16xf32>,
          %min3A_375 = arith.constant 2.000000e+01 : f32
          %min3A_376 = vector.broadcast %min3A_375 : f32 to vector<16xf32>
          %min3A_377 = arith.minimumf %gather3A_374, %min3A_376 : vector<16xf32>
          %exp3A_378 = math.exp %min3A_377 : vector<16xf32>
          %add3A_379 = arith.constant 1.000000e+00 : f32
          %add3A_380 = vector.broadcast %add3A_379 : f32 to vector<16xf32>
          %add3A_381 = arith.addf %add3A_380, %exp3A_378 : vector<16xf32>
          %bitcast_convert_type3A_382 = tpu.bitcast %add3A_381 : vector<16xf32> -> vector<16xi32>
          %shift_right_logical3A_383 = arith.constant 23 : i32
          %shift_right_logical3A_384 = vector.broadcast %shift_right_logical3A_383 : i32 to vector<16xi32>
          %shift_right_logical3A_385 = arith.shrui %bitcast_convert_type3A_382, %shift_right_logical3A_384 : vector<16xi32>
          %sub3A_386 = arith.constant 127 : i32
          %sub3A_387 = vector.broadcast %sub3A_386 : i32 to vector<16xi32>
          %sub3A_388 = arith.subi %shift_right_logical3A_385, %sub3A_387 : vector<16xi32>
          %and3A_389 = arith.constant 8388607 : i32
          %and3A_390 = vector.broadcast %and3A_389 : i32 to vector<16xi32>
          %and3A_391 = arith.andi %bitcast_convert_type3A_382, %and3A_390 : vector<16xi32>
          %or3A_392 = arith.constant 1065353216 : i32
          %or3A_393 = vector.broadcast %or3A_392 : i32 to vector<16xi32>
          %or3A_394 = arith.ori %and3A_391, %or3A_393 : vector<16xi32>
          %bitcast_convert_type3A_395 = tpu.bitcast %or3A_394 : vector<16xi32> -> vector<16xf32>
          %gt3A_396 = arith.constant 1.41421354 : f32
          %gt3A_397 = vector.broadcast %gt3A_396 : f32 to vector<16xf32>
          %gt3A_398 = arith.cmpf ogt, %bitcast_convert_type3A_395, %gt3A_397 : vector<16xf32>
          %mul3A_399 = arith.constant 5.000000e-01 : f32
          %mul3A_400 = vector.broadcast %mul3A_399 : f32 to vector<16xf32>
          %mul3A_401 = arith.mulf %bitcast_convert_type3A_395, %mul3A_400 : vector<16xf32>
          %select_n3A_402 = arith.select %gt3A_398, %mul3A_401, %bitcast_convert_type3A_395 : vector<16xi1>, vector<16xf32>
          %convert_element_type3A_403 = arith.sitofp %sub3A_388 : vector<16xi32> to vector<16xf32>
          %jit3A_404 = arith.constant 1.000000e+00 : f32
          %jit3A_405 = arith.constant 0.000000e+00 : f32
          %broadcast_in_dim3A_406 = vector.broadcast %jit3A_404 : f32 to vector<16xf32>
          %broadcast_in_dim3A_407 = vector.broadcast %jit3A_405 : f32 to vector<16xf32>
          %select_n3A_408 = arith.select %gt3A_398, %broadcast_in_dim3A_406, %broadcast_in_dim3A_407 : vector<16xi1>, vector<16xf32>
          %add3A_409 = arith.addf %convert_element_type3A_403, %select_n3A_408 : vector<16xf32>
          %sub3A_410 = arith.constant 1.000000e+00 : f32
          %sub3A_411 = vector.broadcast %sub3A_410 : f32 to vector<16xf32>
          %sub3A_412 = arith.subf %select_n3A_402, %sub3A_411 : vector<16xf32>
          %mul3A_413 = arith.mulf %sub3A_412, %sub3A_412 : vector<16xf32>
          %broadcast_in_dim3A_414 = arith.constant 0.0703768358 : f32
          %broadcast_in_dim3A_415 = vector.broadcast %broadcast_in_dim3A_414 : f32 to vector<16xf32>
          %mul3A_416 = arith.mulf %broadcast_in_dim3A_415, %sub3A_412 : vector<16xf32>
          %add3A_417 = arith.constant -0.115146101 : f32
          %add3A_418 = vector.broadcast %add3A_417 : f32 to vector<16xf32>
          %add3A_419 = arith.addf %mul3A_416, %add3A_418 : vector<16xf32>
          %mul3A_420 = arith.mulf %add3A_419, %sub3A_412 : vector<16xf32>
          %add3A_421 = arith.constant 0.116769984 : f32
          %add3A_422 = vector.broadcast %add3A_421 : f32 to vector<16xf32>
          %add3A_423 = arith.addf %mul3A_420, %add3A_422 : vector<16xf32>
          %mul3A_424 = arith.mulf %add3A_423, %sub3A_412 : vector<16xf32>
          %add3A_425 = arith.constant -0.12420141 : f32
          %add3A_426 = vector.broadcast %add3A_425 : f32 to vector<16xf32>
          %add3A_427 = arith.addf %mul3A_424, %add3A_426 : vector<16xf32>
          %mul3A_428 = arith.mulf %add3A_427, %sub3A_412 : vector<16xf32>
          %add3A_429 = arith.constant 0.142493233 : f32
          %add3A_430 = vector.broadcast %add3A_429 : f32 to vector<16xf32>
          %add3A_431 = arith.addf %mul3A_428, %add3A_430 : vector<16xf32>
          %mul3A_432 = arith.mulf %add3A_431, %sub3A_412 : vector<16xf32>
          %add3A_433 = arith.constant -0.166680574 : f32
          %add3A_434 = vector.broadcast %add3A_433 : f32 to vector<16xf32>
          %add3A_435 = arith.addf %mul3A_432, %add3A_434 : vector<16xf32>
          %mul3A_436 = arith.mulf %add3A_435, %sub3A_412 : vector<16xf32>
          %add3A_437 = arith.constant 0.199997142 : f32
          %add3A_438 = vector.broadcast %add3A_437 : f32 to vector<16xf32>
          %add3A_439 = arith.addf %mul3A_436, %add3A_438 : vector<16xf32>
          %mul3A_440 = arith.mulf %add3A_439, %sub3A_412 : vector<16xf32>
          %add3A_441 = arith.constant -0.24999994 : f32
          %add3A_442 = vector.broadcast %add3A_441 : f32 to vector<16xf32>
          %add3A_443 = arith.addf %mul3A_440, %add3A_442 : vector<16xf32>
          %mul3A_444 = arith.mulf %add3A_443, %sub3A_412 : vector<16xf32>
          %add3A_445 = arith.constant 0.333333313 : f32
          %add3A_446 = vector.broadcast %add3A_445 : f32 to vector<16xf32>
          %add3A_447 = arith.addf %mul3A_444, %add3A_446 : vector<16xf32>
          %mul3A_448 = arith.mulf %sub3A_412, %mul3A_413 : vector<16xf32>
          %mul3A_449 = arith.mulf %mul3A_448, %add3A_447 : vector<16xf32>
          %mul3A_450 = arith.constant 5.000000e-01 : f32
          %mul3A_451 = vector.broadcast %mul3A_450 : f32 to vector<16xf32>
          %mul3A_452 = arith.mulf %mul3A_451, %mul3A_413 : vector<16xf32>
          %sub3A_453 = arith.subf %mul3A_449, %mul3A_452 : vector<16xf32>
          %add3A_454 = arith.addf %sub3A_453, %sub3A_412 : vector<16xf32>
          %mul3A_455 = arith.constant 0.693147182 : f32
          %mul3A_456 = vector.broadcast %mul3A_455 : f32 to vector<16xf32>
          %mul3A_457 = arith.mulf %add3A_409, %mul3A_456 : vector<16xf32>
          %add3A_458 = arith.addf %add3A_454, %mul3A_457 : vector<16xf32>
          %gt3A_459 = arith.constant 2.000000e+01 : f32
          %gt3A_460 = vector.broadcast %gt3A_459 : f32 to vector<16xf32>
          %gt3A_461 = arith.cmpf ogt, %gather3A_374, %gt3A_460 : vector<16xf32>
          %select_n3A_462 = arith.select %gt3A_461, %gather3A_374, %add3A_458 : vector<16xi1>, vector<16xf32>
          %swap3A_463 = arith.index_cast %scan3A_88 : i32 to index
          %swap3A_464 = arith.constant 96 : index
          %swap3A_465 = tpu.vector_load %arg13[%swap3A_463, %swap3A_464] {strides = array<i32>} : memref<128x128xf32, #tpu.memory_space<vmem>>, vector<16xf32>,
          tpu.vector_store %arg13[%swap3A_463, %swap3A_464], %select_n3A_462 {strides = array<i32>} : memref<128x128xf32, #tpu.memory_space<vmem>>, vector<16xf32>,
          %add3A_466 = arith.constant 48 : i32
          %add3A_467 = vector.broadcast %add3A_466 : i32 to vector<16xi32>
          %add3A_468 = arith.addi %iota3A, %add3A_467 : vector<16xi32>
          %gather3A_469 = tpu.vector_load_idx %arg11[%add3A_468, %broadcast_in_dim3A_164] : memref<64x384xf32, #tpu.memory_space<vmem>>[vector<16xi32>, vector<16xi32>], vector<16xf32>,
          %swap3A_470 = arith.index_cast %scan3A_88 : i32 to index
          %swap3A_471 = arith.constant 48 : index
          %swap3A_472 = tpu.vector_load %arg13[%swap3A_470, %swap3A_471] {strides = array<i32>} : memref<128x128xf32, #tpu.memory_space<vmem>>, vector<16xf32>,
          tpu.vector_store %arg13[%swap3A_470, %swap3A_471], %gather3A_469 {strides = array<i32>} : memref<128x128xf32, #tpu.memory_space<vmem>>, vector<16xf32>,
          %gather3A_473 = tpu.vector_load_idx %arg12[%add3A_468, %broadcast_in_dim3A_164] : memref<64x384xf32, #tpu.memory_space<vmem>>[vector<16xi32>, vector<16xi32>], vector<16xf32>,
          %min3A_474 = arith.constant 2.000000e+01 : f32
          %min3A_475 = vector.broadcast %min3A_474 : f32 to vector<16xf32>
          %min3A_476 = arith.minimumf %gather3A_473, %min3A_475 : vector<16xf32>
          %exp3A_477 = math.exp %min3A_476 : vector<16xf32>
          %add3A_478 = arith.constant 1.000000e+00 : f32
          %add3A_479 = vector.broadcast %add3A_478 : f32 to vector<16xf32>
          %add3A_480 = arith.addf %add3A_479, %exp3A_477 : vector<16xf32>
          %bitcast_convert_type3A_481 = tpu.bitcast %add3A_480 : vector<16xf32> -> vector<16xi32>
          %shift_right_logical3A_482 = arith.constant 23 : i32
          %shift_right_logical3A_483 = vector.broadcast %shift_right_logical3A_482 : i32 to vector<16xi32>
          %shift_right_logical3A_484 = arith.shrui %bitcast_convert_type3A_481, %shift_right_logical3A_483 : vector<16xi32>
          %sub3A_485 = arith.constant 127 : i32
          %sub3A_486 = vector.broadcast %sub3A_485 : i32 to vector<16xi32>
          %sub3A_487 = arith.subi %shift_right_logical3A_484, %sub3A_486 : vector<16xi32>
          %and3A_488 = arith.constant 8388607 : i32
          %and3A_489 = vector.broadcast %and3A_488 : i32 to vector<16xi32>
          %and3A_490 = arith.andi %bitcast_convert_type3A_481, %and3A_489 : vector<16xi32>
          %or3A_491 = arith.constant 1065353216 : i32
          %or3A_492 = vector.broadcast %or3A_491 : i32 to vector<16xi32>
          %or3A_493 = arith.ori %and3A_490, %or3A_492 : vector<16xi32>
          %bitcast_convert_type3A_494 = tpu.bitcast %or3A_493 : vector<16xi32> -> vector<16xf32>
          %gt3A_495 = arith.constant 1.41421354 : f32
          %gt3A_496 = vector.broadcast %gt3A_495 : f32 to vector<16xf32>
          %gt3A_497 = arith.cmpf ogt, %bitcast_convert_type3A_494, %gt3A_496 : vector<16xf32>
          %mul3A_498 = arith.constant 5.000000e-01 : f32
          %mul3A_499 = vector.broadcast %mul3A_498 : f32 to vector<16xf32>
          %mul3A_500 = arith.mulf %bitcast_convert_type3A_494, %mul3A_499 : vector<16xf32>
          %select_n3A_501 = arith.select %gt3A_497, %mul3A_500, %bitcast_convert_type3A_494 : vector<16xi1>, vector<16xf32>
          %convert_element_type3A_502 = arith.sitofp %sub3A_487 : vector<16xi32> to vector<16xf32>
          %jit3A_503 = arith.constant 1.000000e+00 : f32
          %jit3A_504 = arith.constant 0.000000e+00 : f32
          %broadcast_in_dim3A_505 = vector.broadcast %jit3A_503 : f32 to vector<16xf32>
          %broadcast_in_dim3A_506 = vector.broadcast %jit3A_504 : f32 to vector<16xf32>
          %select_n3A_507 = arith.select %gt3A_497, %broadcast_in_dim3A_505, %broadcast_in_dim3A_506 : vector<16xi1>, vector<16xf32>
          %add3A_508 = arith.addf %convert_element_type3A_502, %select_n3A_507 : vector<16xf32>
          %sub3A_509 = arith.constant 1.000000e+00 : f32
          %sub3A_510 = vector.broadcast %sub3A_509 : f32 to vector<16xf32>
          %sub3A_511 = arith.subf %select_n3A_501, %sub3A_510 : vector<16xf32>
          %mul3A_512 = arith.mulf %sub3A_511, %sub3A_511 : vector<16xf32>
          %broadcast_in_dim3A_513 = arith.constant 0.0703768358 : f32
          %broadcast_in_dim3A_514 = vector.broadcast %broadcast_in_dim3A_513 : f32 to vector<16xf32>
          %mul3A_515 = arith.mulf %broadcast_in_dim3A_514, %sub3A_511 : vector<16xf32>
          %add3A_516 = arith.constant -0.115146101 : f32
          %add3A_517 = vector.broadcast %add3A_516 : f32 to vector<16xf32>
          %add3A_518 = arith.addf %mul3A_515, %add3A_517 : vector<16xf32>
          %mul3A_519 = arith.mulf %add3A_518, %sub3A_511 : vector<16xf32>
          %add3A_520 = arith.constant 0.116769984 : f32
          %add3A_521 = vector.broadcast %add3A_520 : f32 to vector<16xf32>
          %add3A_522 = arith.addf %mul3A_519, %add3A_521 : vector<16xf32>
          %mul3A_523 = arith.mulf %add3A_522, %sub3A_511 : vector<16xf32>
          %add3A_524 = arith.constant -0.12420141 : f32
          %add3A_525 = vector.broadcast %add3A_524 : f32 to vector<16xf32>
          %add3A_526 = arith.addf %mul3A_523, %add3A_525 : vector<16xf32>
          %mul3A_527 = arith.mulf %add3A_526, %sub3A_511 : vector<16xf32>
          %add3A_528 = arith.constant 0.142493233 : f32
          %add3A_529 = vector.broadcast %add3A_528 : f32 to vector<16xf32>
          %add3A_530 = arith.addf %mul3A_527, %add3A_529 : vector<16xf32>
          %mul3A_531 = arith.mulf %add3A_530, %sub3A_511 : vector<16xf32>
          %add3A_532 = arith.constant -0.166680574 : f32
          %add3A_533 = vector.broadcast %add3A_532 : f32 to vector<16xf32>
          %add3A_534 = arith.addf %mul3A_531, %add3A_533 : vector<16xf32>
          %mul3A_535 = arith.mulf %add3A_534, %sub3A_511 : vector<16xf32>
          %add3A_536 = arith.constant 0.199997142 : f32
          %add3A_537 = vector.broadcast %add3A_536 : f32 to vector<16xf32>
          %add3A_538 = arith.addf %mul3A_535, %add3A_537 : vector<16xf32>
          %mul3A_539 = arith.mulf %add3A_538, %sub3A_511 : vector<16xf32>
          %add3A_540 = arith.constant -0.24999994 : f32
          %add3A_541 = vector.broadcast %add3A_540 : f32 to vector<16xf32>
          %add3A_542 = arith.addf %mul3A_539, %add3A_541 : vector<16xf32>
          %mul3A_543 = arith.mulf %add3A_542, %sub3A_511 : vector<16xf32>
          %add3A_544 = arith.constant 0.333333313 : f32
          %add3A_545 = vector.broadcast %add3A_544 : f32 to vector<16xf32>
          %add3A_546 = arith.addf %mul3A_543, %add3A_545 : vector<16xf32>
          %mul3A_547 = arith.mulf %sub3A_511, %mul3A_512 : vector<16xf32>
          %mul3A_548 = arith.mulf %mul3A_547, %add3A_546 : vector<16xf32>
          %mul3A_549 = arith.constant 5.000000e-01 : f32
          %mul3A_550 = vector.broadcast %mul3A_549 : f32 to vector<16xf32>
          %mul3A_551 = arith.mulf %mul3A_550, %mul3A_512 : vector<16xf32>
          %sub3A_552 = arith.subf %mul3A_548, %mul3A_551 : vector<16xf32>
          %add3A_553 = arith.addf %sub3A_552, %sub3A_511 : vector<16xf32>
          %mul3A_554 = arith.constant 0.693147182 : f32
          %mul3A_555 = vector.broadcast %mul3A_554 : f32 to vector<16xf32>
          %mul3A_556 = arith.mulf %add3A_508, %mul3A_555 : vector<16xf32>
          %add3A_557 = arith.addf %add3A_553, %mul3A_556 : vector<16xf32>
          %gt3A_558 = arith.constant 2.000000e+01 : f32
          %gt3A_559 = vector.broadcast %gt3A_558 : f32 to vector<16xf32>
          %gt3A_560 = arith.cmpf ogt, %gather3A_473, %gt3A_559 : vector<16xf32>
          %select_n3A_561 = arith.select %gt3A_560, %gather3A_473, %add3A_557 : vector<16xi1>, vector<16xf32>
          %swap3A_562 = arith.index_cast %scan3A_88 : i32 to index
          %swap3A_563 = arith.constant 112 : index
          %swap3A_564 = tpu.vector_load %arg13[%swap3A_562, %swap3A_563] {strides = array<i32>} : memref<128x128xf32, #tpu.memory_space<vmem>>, vector<16xf32>,
          tpu.vector_store %arg13[%swap3A_562, %swap3A_563], %select_n3A_561 {strides = array<i32>} : memref<128x128xf32, #tpu.memory_space<vmem>>, vector<16xf32>,
        } else {
        }
        %broadcast_in_dim3A_175 = vector.broadcast %scan3A_88 : i32 to vector<16xi32>
        tpu.vector_store_idx %arg14[%broadcast_in_dim3A_3, %broadcast_in_dim3A_175], %get3A_166 masked %eq3A_2 : memref<8x128xi32, #tpu.memory_space<vmem>>[vector<16xi32>, vector<16xi32>], vector<16xi32>, vector<16xi1>
        scf.yield %select_n3A_120 : i32
      }
      %scan3A_74 = arith.constant 128 : i32
      %dma_start3A = arith.constant 0 : i32
      %dma_start3A_75 = arith.constant 0 : i32
      %dma_start3A_76 = tpu.memref_slice %arg14[%dma_start3A, %dma_start3A_75] : memref<8x128xi32, #tpu.memory_space<vmem>> -> memref<1x128xi32, #tpu.memory_space<vmem>>
      %dma_start3A_77 = tpu.memref_squeeze %dma_start3A_76 : memref<1x128xi32, #tpu.memory_space<vmem>> -> memref<128xi32, #tpu.memory_space<vmem>>
      %dma_start3A_78 = arith.constant 0 : i32
      %dma_start3A_79 = arith.constant 0 : i32
      %dma_start3A_80 = tpu.memref_slice %arg6[%dma_start3A_78, %dma_start3A_79] : memref<32768x128xf32, #tpu.memory_space<hbm>> -> memref<32768x128xf32, #tpu.memory_space<hbm>>
      tpu.enqueue_indirect_dma source(%arg13 : memref<128x128xf32, #tpu.memory_space<vmem>>) target(%dma_start3A_80 : memref<32768x128xf32, #tpu.memory_space<hbm>>) offsets(%dma_start3A_77 : memref<128xi32, #tpu.memory_space<vmem>>) semaphore(%arg16 : memref<!tpu.dma_semaphore, #tpu.memory_space<semaphore_mem>>)
      %dma_wait3A_81 = arith.constant 0 : i32
      %dma_wait3A_82 = arith.constant 0 : i32
      %dma_wait3A_83 = tpu.memref_slice %arg14[%dma_wait3A_81, %dma_wait3A_82] : memref<8x128xi32, #tpu.memory_space<vmem>> -> memref<1x128xi32, #tpu.memory_space<vmem>>
      %dma_wait3A_84 = tpu.memref_squeeze %dma_wait3A_83 : memref<1x128xi32, #tpu.memory_space<vmem>> -> memref<128xi32, #tpu.memory_space<vmem>>
      %dma_wait3A_85 = arith.constant 0 : i32
      %dma_wait3A_86 = arith.constant 0 : i32
      %dma_wait3A_87 = tpu.memref_slice %arg6[%dma_wait3A_85, %dma_wait3A_86] : memref<32768x128xf32, #tpu.memory_space<hbm>> -> memref<32768x128xf32, #tpu.memory_space<hbm>>
      tpu.wait_indirect_dma semaphore(%arg16 : memref<!tpu.dma_semaphore, #tpu.memory_space<semaphore_mem>>) src(%arg13 : memref<128x128xf32, #tpu.memory_space<vmem>>) dst(%dma_wait3A_87 : memref<32768x128xf32, #tpu.memory_space<hbm>>)
      scf.yield %scan3A_73 : i32
    }
    %scan3A_55 = arith.constant 8 : i32
    %dma_wait3A = arith.constant 0 : i32
    %dma_wait3A_56 = arith.constant 0 : i32
    %dma_wait3A_57 = tpu.memref_slice %arg4[%dma_wait3A, %dma_wait3A_56] : memref<64x1000000xf32, #tpu.memory_space<hbm>> -> memref<64x384xf32, #tpu.memory_space<hbm>>
    %dma_wait3A_58 = arith.constant 0 : i32
    %dma_wait3A_59 = arith.constant 0 : i32
    %dma_wait3A_60 = tpu.memref_slice %arg4[%dma_wait3A_58, %dma_wait3A_59] : memref<64x1000000xf32, #tpu.memory_space<hbm>> -> memref<64x384xf32, #tpu.memory_space<hbm>>
    tpu.wait_dma2 semaphore(%arg15 : memref<!tpu.dma_semaphore, #tpu.memory_space<semaphore_mem>>) src(%dma_wait3A_60 : memref<64x384xf32, #tpu.memory_space<hbm>>) dst(%arg9 : memref<64x384xf32, #tpu.memory_space<vmem>>)
    %dma_wait3A_61 = arith.constant 0 : i32
    %dma_wait3A_62 = arith.constant 0 : i32
    %dma_wait3A_63 = tpu.memref_slice %arg5[%dma_wait3A_61, %dma_wait3A_62] : memref<64x1000000xf32, #tpu.memory_space<hbm>> -> memref<64x384xf32, #tpu.memory_space<hbm>>
    %dma_wait3A_64 = arith.constant 0 : i32
    %dma_wait3A_65 = arith.constant 0 : i32
    %dma_wait3A_66 = tpu.memref_slice %arg5[%dma_wait3A_64, %dma_wait3A_65] : memref<64x1000000xf32, #tpu.memory_space<hbm>> -> memref<64x384xf32, #tpu.memory_space<hbm>>
    tpu.wait_dma2 semaphore(%arg15 : memref<!tpu.dma_semaphore, #tpu.memory_space<semaphore_mem>>) src(%dma_wait3A_66 : memref<64x384xf32, #tpu.memory_space<hbm>>) dst(%arg10 : memref<64x384xf32, #tpu.memory_space<vmem>>)
    return
  }
}

</mosaic_0001>

<sc_bundles>
// kernel: gather_offload_async_start
scs
__scs_entry_jumppad:
0x0: {  	(pc) =	sbr.rel $0x88, $3  }
0x1: {  	(tag) =	ssettag $0x0;
	lr =	simm.s32 $0x1  }
0x2: {  	[smem:$0x3F9E] =	sst lr;
	_ =	strace $0xD0000000  }
0x3: {  	_ = 	snop  }
0x4: {  	_ = 	snop  }
0x5: {  	_ = 	snop  }
0x6: {  	_ = 	snop  }
0x7: {  	_ = 	snop  }
__scs_overlays_trampoline_lowered:
0x8: {  	[smem:$0x3FAD] =	sst s0  }
0x9: {  	[smem:$0x3FAE] =	sst s1  }
0xa: {  	[smem:$0x3FAF] =	sst s2  }
0xb: {  	[smem:$0x3FB0] =	sst s3  }
0xc: {  	[smem:$0x3FB1] =	sst s4  }
0xd: {  	[smem:$0x3FB2] =	sst s5  }
0xe: {  	[smem:$0x3FB3] =	sst s6  }
0xf: {  	[smem:$0x3FB4] =	sst s7  }
0x10: {  	[smem:$0x3FB5] =	sst s8  }
0x11: {  	[smem:$0x3FB6] =	sst s9;
	s0 =	simm.s32 @!p0 $0x0  }
0x12: {  	s1 =	sld [smem:$0x3F9C];
	s0 =	simm.s32 @p0 $0x1  }
0x13: {  	[smem:$0x3FB7] =	sst s0;
	s0 =	simm.s32 @!p1 $0x0  }
0x14: {  	s2 =	sld [smem:$0x3F9B];
	s0 =	simm.s32 @p1 $0x1  }
0x15: {  	[smem:$0x3FB8] =	sst s0;
	s0 =	simm.s32 @!p2 $0x0  }
0x16: {  	s3 =	sld [smem:$0x3FDB];
	s0 =	simm.s32 @p2 $0x1  }
0x17: {  	s4 =	simm.s32 $0x1BF5;
	[smem:$0x3FBA] =	sst s0  }
0x18: {  	s0 =	sld [smem:$0x3F9D];
	_ =	swait.ge [sflag:s4], $0x0  }
0x19: {  	s7 =	sld [smem:$0x3F9E]  }
0x1a: {  	s8 =	sadd.s32 $0xFFFFE003, lr  }
0x1b: {  	s9 =	sadd.s32 $0xFFFFFEF7, lr;
	s5 =	simm.s32 $0xFFFFFFFF;
	p2 =	slt.u32 s8, $0xFFFFF086  }
0x1c: {  	p1 =	slt.u32 s9, $0xF7A;
	s5 =	simm.s32 @!p2 $0x0  }
0x1d: {  	s5 =	simm.s32 @p1 $0x1;
	p0 =	seq.s32 s7, s2  }
0x1e: {  	s7 =	smul.u32 @!p0 $0xF7A, s2;
	p2 =	seq.s32 @!p0 s5, $0x0  }
0x1f: {  	s9 =	smul.u32 $0xF7A, s1;
	s8 =	simm.s32 @!p0 $0x1BF5;
	p2 =	por !p2, p0  }
0x20: {  	[sflag:s8] =	ssyncset.s32 @!p0 $0xFFFFF086;
	s6 =	sadd.s32 @!p0 s3, s7;
	s7 =	simm.s32 @!p0 $0x108  }
0x21: {  	s3 =	sadd.s32 s3, s9;
	s6 =	sadd.s32 @!p0 $0x88, s6;
	s7 =	simm.s32 @p2 $0x1082  }
0x22: {  	[simem:s7], [sflag:s8] =	dma.local @!p0 [hbm:s6], $0xF7A  }
0x23: {  	s9 =	sor.u32 $0xD0000000, s2;
	s6 =	simm.s32 $0x108;
	_ =	swait.ge @!p0 [sflag:s8], $0x0  }
0x24: {  	s3 =	sadd.s32 $0x88, s3;
	s6 =	simm.s32 @!p1 $0x1082;
	[sflag:s4] =	ssyncset.s32 $0xFFFFF086  }
0x25: {  	[simem:s6], [sflag:s4] =	dma.local [hbm:s3], $0xF7A  }
0x26: {  	[smem:$0x3F9E] =	sst s1;
	(tag) =	ssettag s2;
	_ =	strace s9  }
0x27: {  	s1 =	sld [smem:$0x3FAE]  }
0x28: {  	s2 =	sld [smem:$0x3FAF]  }
0x29: {  	s4 =	sld [smem:$0x3FB1]  }
0x2a: {  	p0 =	seq.s32 s5, $0x0;
	s5 =	sld [smem:$0x3FB2]  }
0x2b: {  	s6 =	sld [smem:$0x3FB3]  }
0x2c: {  	s7 =	sld [smem:$0x3FB4]  }
0x2d: {  	s3 =	simm.s32 $0x108;
	s8 =	sld [smem:$0x3FB5]  }
0x2e: {  	s3 =	simm.s32 @!p0 $0x1082;
	s9 =	sld [smem:$0x3FB6]  }
0x2f: {  	lr =	sadd.s32 s0, s3;
	s0 =	sld [smem:$0x3FAD]  }
0x30: {  	s3 =	sld [smem:$0x3FB0]  }
0x31: {  	[smem:$0x3FB9] =	sst s10  }
0x32: {  	s10 =	sld [smem:$0x3FB7];
	_ =	sdelay $0x3  }
0x33: {  	p0 =	seq.s32 s10, $0x1;
	s10 =	sld [smem:$0x3FB9];
	_ =	sdelay $0x3  }
0x34: {  	[smem:$0x3FB9] =	sst s10  }
0x35: {  	s10 =	sld [smem:$0x3FB8];
	_ =	sdelay $0x3  }
0x36: {  	p1 =	seq.s32 s10, $0x1;
	s10 =	sld [smem:$0x3FB9];
	_ =	sdelay $0x3  }
0x37: {  	[smem:$0x3FB9] =	sst s10  }
0x38: {  	s10 =	sld [smem:$0x3FBA]  }
0x39: {  	_ = 	snop;
	(pc) =	sbr.ind lr, $3  }
0x3a: {  	_ = 	snop  }
0x3b: {  	_ = 	snop  }
0x3c: {  	p2 =	seq.s32 s10, $0x1;
	s10 =	sld [smem:$0x3FB9]  }
0x3d: {  	_ =	shalt  }
0x3e: {  	_ =	shalt  }
0x3f: {  	_ =	shalt  }
0x40: {  	_ =	shalt  }
0x41: {  	_ =	shalt  }
0x42: {  	_ =	shalt  }
0x43: {  	_ =	shalt  }
0x44: {  	_ =	shalt  }
0x45: {  	_ =	shalt  }
0x46: {  	_ =	shalt  }
0x47: {  	_ =	shalt  }
0x48: {  	_ =	shalt  }
0x49: {  	_ =	shalt  }
0x4a: {  	_ =	shalt  }
0x4b: {  	_ =	shalt  }
0x4c: {  	_ =	shalt  }
0x4d: {  	_ =	shalt  }
0x4e: {  	_ =	shalt  }
0x4f: {  	_ =	shalt  }
0x50: {  	_ =	shalt  }
0x51: {  	_ =	shalt  }
0x52: {  	_ =	shalt  }
0x53: {  	_ =	shalt  }
0x54: {  	_ =	shalt  }
0x55: {  	_ =	shalt  }
0x56: {  	_ =	shalt  }
0x57: {  	_ =	shalt  }
0x58: {  	_ =	shalt  }
0x59: {  	_ =	shalt  }
0x5a: {  	_ =	shalt  }
0x5b: {  	_ =	shalt  }
0x5c: {  	_ =	shalt  }
0x5d: {  	_ =	shalt  }
0x5e: {  	_ =	shalt  }
0x5f: {  	_ =	shalt  }
0x60: {  	_ =	shalt  }
0x61: {  	_ =	shalt  }
0x62: {  	_ =	shalt  }
0x63: {  	_ =	shalt  }
0x64: {  	_ =	shalt  }
0x65: {  	_ =	shalt  }
0x66: {  	_ =	shalt  }
0x67: {  	_ =	shalt  }
0x68: {  	_ =	shalt  }
0x69: {  	_ =	shalt  }
0x6a: {  	_ =	shalt  }
0x6b: {  	_ =	shalt  }
0x6c: {  	_ =	shalt  }
0x6d: {  	_ =	shalt  }
0x6e: {  	_ =	shalt  }
0x6f: {  	_ =	shalt  }
0x70: {  	_ =	shalt  }
0x71: {  	_ =	shalt  }
0x72: {  	_ =	shalt  }
0x73: {  	_ =	shalt  }
0x74: {  	_ =	shalt  }
0x75: {  	_ =	shalt  }
0x76: {  	_ =	shalt  }
0x77: {  	_ =	shalt  }
0x78: {  	_ =	shalt  }
0x79: {  	_ =	shalt  }
0x7a: {  	_ =	shalt  }
0x7b: {  	_ =	shalt  }
0x7c: {  	_ =	shalt  }
0x7d: {  	_ =	shalt  }
0x7e: {  	_ =	shalt  }
0x7f: {  	_ =	shalt  }
0x80: {  	_ =	shalt  }
0x81: {  	_ =	shalt  }
0x82: {  	_ =	shalt  }
0x83: {  	_ =	shalt  }
0x84: {  	_ =	shalt  }
0x85: {  	_ =	shalt  }
0x86: {  	_ =	shalt  }
0x87: {  	_ =	shalt  }
.Lfunc_end0:
.L_simem_size_0:
called_computation_lowered:
.L_overlay_start_0:
0x88: {  	s2 =	sld [smem:$0x3FD9]  }
0x89: {  	s3 =	sld [smem:$0x3FFE];
	_ =	sdelay $0x1  }
0x8a: {  	s1 =	srdreg.scid  }
0x8b: {  	s0 =	sand.u32 $0x1, s1  }
0x8c: {  	s17 =	sshll.u32 s0, $0xA;
	s2 =	sadd.s32 s3, s2  }
0x8d: {  	s2 =	sadd.s32 s2, s17  }
0x8e: {  	[smem:$0x3FC5] =	sst s2  }
0x8f: {  	_ = 	snop  }
0x90: {  	s2 =	sld [smem:$0x3FD0];
	(tm) =	ssettm $0x1  }
0x91: {  	s18 =	sld [smem:$0x3FFB];
	_ =	sdelay $0x3  }
0x92: {  	_ =	strace s18  }
0x93: {  	s3 =	sld [smem:$0x3FFC];
	_ =	sdelay $0x3  }
0x94: {  	_ =	strace s3  }
0x95: {  	s3 =	sld [smem:$0x3FFD];
	_ =	sdelay $0x3  }
0x96: {  	_ =	strace s3  }
0x97: {  	_ =	strace $0x8FFFFFFF  }
0x98: {  	s19 =	sld [smem:$0x3FDB];
	_ =	sdelay $0x1  }
0x99: {  	s4 =	simm.s32 $_scs_section_size  }
0x9a: {  	s5 =	simm.s32 $_size__tile_overlayer_lowered;
	s6 =	simm.s32 $_tile_overlayer_lowered  }
0x9b: {  	s22 =	simm.s32 $0x1BFF;
	s21 =	sshll.u32 s6, $0x1;
	s3 =	sadd.s32 s4, s19  }
0x9c: {  	s7 =	simm.s32 $0x0;
	s20 =	sshll.u32 s5, $0x1;
	s5 =	sadd.s32 s21, s3  }
0x9d: {  	[timem:s7], [sflag:s22] =	dma.local [hbm:s5], s20  }
0x9e: {  	_ =	swait.ge [sflag:s22], s20  }
0x9f: {  	s4 =	ssub.s32 $0x0, s20;
	[sflag:s22] =	ssyncset.done $0x0  }
0xa0: {  	[sflag:s22] =	ssyncadd.s32 s4;
	_ =	sdelay $0x1  }
0xa1: {  	s23 =	simm.s32 $0x1B8B  }
0xa2: {  	_ =	swait.ge [sflag:s23], $0x1  }
0xa3: {  	[sflag:s23] =	ssyncset.done $0x0  }
0xa4: {  	s25 =	simm.s32 $0x1B8E;
	s24 =	sld [smem:$0x3FFE];
	[sflag:s23] =	ssyncadd.s32 $0xFFFFFFFF  }
0xa5: {  	s26 =	simm.s32 $execute0_lowered;
	[smem:$0x3FD2] =	sst s25  }
0xa6: {  	s5 =	sshll.u32 s26, $0x1;
	_ =	strace $0x80000046;
	[dreg:$0x1] =	wrdreg $0xFFFFFFFF  }
0xa7: {  	s28 =	simm.s32 $_size_execute0_lowered;
	s3 =	sadd.s32 s3, s5;
	[dreg:$0x0] =	wrdreg $0x0  }
0xa8: {  	s5 =	sshll.u32 s28, $0x1;
	[dreg:$0x2] =	wrdreg s3  }
0xa9: {  	[dreg:$0x3] =	wrdreg s5  }
0xaa: {  	[dreg:$0x4] =	wrdreg $0xC0  }
0xab: {  	_ =	task [dreg:s7], $0x5FFFF  }
0xac: {  	[dreg:$0x1] =	wrdreg $0xFFFFFFFF  }
0xad: {  	[dreg:$0x0] =	wrdreg $0x60  }
0xae: {  	[dreg:$0x2] =	wrdreg s2  }
0xaf: {  	[dreg:$0x3] =	wrdreg s24  }
0xb0: {  	[dreg:$0x4] =	wrdreg $0x9  }
0xb1: {  	_ =	task.clear_ibuf [dreg:s7], $0x5FFFF;
	_ =	strace $0x90000046  }
0xb2: {  	s29 =	simm.s32 $0x9;
	_ =	strace $0x80000048  }
0xb3: {  	_ =	swait.ge [sflag:s29], $0x1  }
0xb4: {  	[sflag:s29] =	ssyncadd.s32 $0xFFFFFFFF  }
0xb5: {  	_ =	strace $0x90000048  }
0xb6: {  	_ =	sfence  }
0xb7: {  	s30 =	sld [smem:$0x0];
	_ =	sdelay $0x2  }
0xb8: {  	s31 =	sshll.u32 s1, $0xD;
	s1 =	sshrl.u32 s1, $0x2  }
0xb9: {  	s3 =	sand.u32 $0x4000, s31;
	s1 =	sadd.s32 s1, s30  }
0xba: {  	s0 =	sor.u32 s3, s0;
	s1 =	sshll.u32 s1, $0x11  }
0xbb: {  	s0 =	sor.u32 s1, s0  }
0xbc: {  	s0 =	sadd.s32 $0x8F2B, s0  }
0xbd: {  	[sflag:s0] =	ssyncadd.remote.s32 $0x1  }
0xbe: {  	_ =	sfence.sel $0xFFFF  }
0xbf: {  	[dreg:$0x0] =	wrdreg $0xFFFFFFFF;
	(pc) =	sbr.abs _section_cstart, $3  }
0xc0: {  	[dreg:$0x1] =	wrdreg $0xFFFFFFFF  }
0xc1: {  	_ =	task.clear_ibuf [dreg:s7], $0x2FFFF;
	_ =	strace $0x9FFFFFFF  }
0xc2: {  	(tm) =	ssettm $0x7FFFFFFF  }
0xc3: {  	_ =	shalt  }
tec
execute0_lowered:
.L_overlay_start_1:
0x0: {  	(tag) =	ssettag $0x1  }
0x1: {  	s1 =	srdreg.scid;
	s2 =	rddreg [dreg:$0x0]  }
0x2: {  	s0 =	stileid.u32;
	s3 =	rddreg [dreg:$0x1]  }
0x3: {  	s6 =	simm.s32 $0x1;
	s9 =	simm.s32 $0x1;
	s1 =	sshll.u32 s1, $0x9  }
0x4: {  	s10 =	simm.s32 $0x3;
	s4 =	sshll.u32 s0, $0xA;
	s5 =	sand.u32 $0x200, s1  }
0x5: {  	s13 =	simm.s32 $0x0;
	s12 =	simm.s32 $0x0;
	s4 =	sor.u32 s4, s5  }
0x6: {  	s1 =	rddreg [dreg:$0x2];
	_ =	strace $0x80000047;
	s8 =	ssub.s32 $0x8000, s4  }
.Ltmp0:
0x7: {  	s5 =	sadd.s32 $0x1000, s3;
	s7 =	sand.u32 $0x3E00, s8;
	(pc) =	sbr.rel .LBB2_1-.Ltmp0, $4  }
0x8: {  	[sflag:s6] =	ssyncpa.u1 $0x0;
	s11 =	smov.u32 s4;
	p0 =	sne.s32 s7, $0x0  }
0x9: {  	s8 =	sshrl.u32 s8, $0xE;
	s7 =	simm.s32 $0x2;
	s9 =	simm.s32 @!p0 $0x0  }
0xa: {  	[sflag:s7] =	ssyncpa.u1 $0x0;
	p0 =	por $0x0, $0x0;
	s8 =	sadd.s32 s9, s8  }
0xb: {  	vm0 =	vmmov $0xffff;
	[sflag:s10] =	ssyncpa.u1 $0x0;
	s10 =	simm.s32 $0x0;
	s9 =	sadd.s32 $0x1, s8  }
.LBB2_4:
0xc: {  	v2 =	vnsel vm1, $0x0, v2  }
0xd: {  	vm1 =	vgt.s32 v0, $0x0;
	v2 =	vmin.u32 v2, $0x7FFF  }
0xe: {  	v0 =	vnsel vm1, $0x0, v0  }
0xf: {  	v0 =	vmin.u32 v0, $0x7FFF  }
0x10: {  	[tilespmem:s15], [sflag:$0x1] =	stream.indirect_vreg.gather [hbm4b:s2+s10], $0x1, v1, vm0, $0x4038;
	[tilespmem:$0x800] =	vst v63  }
0x11: {  	(ifvalue) =	ssetifvalue $0x7FFFFFFF  }
0x12: {  	[tilespmem:s16], [sflag:$0x1] =	stream.indirect_vreg.gather [hbm4b:s2+s10], $0x1, v2, vm0, $0x4038;
	[tilespmem:$0x800] =	vst v63  }
0x13: {  	s29 =	sadd.s32 $0x10, s16;
	(ifvalue) =	ssetifvalue $0x7FFFFFFF  }
0x14: {  	[tilespmem:s29], [sflag:$0x1] =	stream.indirect_vreg.gather [hbm4b:s2+s10], $0x1, v0, vm0, $0x4038;
	[tilespmem:$0x800] =	vst v63  }
0x15: {  	_ =	swait.ge [sflag:s6], $0x200  }
0x16: {  	s30 =	sshrl.u32 s13, $0x3;
	[sflag:s6] =	ssyncset.done $0x0  }
0x17: {  	s31 =	sand.u32 $0x7, s13;
	s15 =	sadd.s32 s5, s30;
	[sflag:s6] =	ssyncadd.s32 $0xFFFFFE00  }
0x18: {  	[hbm4b:s15+s31] =	stream.linear.scatter [tilespmem:s14], [sflag:$0x3], $0x200, $0x38;
	[tilespmem:$0x800] =	vst v63  }
.LBB2_5:
0x19: {  	s15 =	sadd.s32 $0x4000, s11  }
0x1a: {  	p2 =	sgt.s32 s15, $0x7FFF  }
0x1b: {  	s15 =	smov.u32 @p2 s4;
	p2 =	sne.s32 s12, s9  }
.Ltmp1:
0x1c: {  	p1 =	slt.u32 s12, $0x2;
	(pc) =	sbr.rel @!p2 .LBB2_6-.Ltmp1, $4  }
0x1d: {  	s14 =	simm.s32 @!p1 $0x3  }
0x1e: {  	s16 =	sadd.s32 $0x1, s12;
	_ =	swait.ge @!p1 [sflag:s14], $0x200  }
0x1f: {  	s13 =	smov.u32 s11;
	p0 =	por !p0, !p0;
	[sflag:s14] =	ssyncset.done @!p1 $0x0  }
0x20: {  	s12 =	smov.u32 s16;
	s11 =	smov.u32 s15;
	[sflag:s14] =	ssyncadd.s32 @!p1 $0xFFFFFE00  }
.LBB2_1:
0x21: {  	p1 =	sge.u32 s12, s8  }
0x22: {  	s14 =	sxor.u32 @!p1 $0xFFFFFFFF, s12  }
0x23: {  	s31 =	sadd.s32 $0xFFFFFFFF, s12;
	s15 =	sshrl.u32 @!p1 s11, $0x3;
	s14 =	sshll.u32 @!p1 s14, $0x9  }
0x24: {  	s16 =	sand.u32 @!p1 $0x7, s11;
	s15 =	sadd.s32 @!p1 s3, s15;
	s14 =	sand.u32 @!p1 $0x200, s14  }
0x25: {  	[tilespmem:s14], [sflag:$0x2] =	stream.linear.gather @!p1 [hbm4b:s15+s16], $0x200, $0x38;
	[tilespmem:$0x800] =	vst v63  }
0x26: {  	p1 =	sge.u32 s31, s8  }
.Ltmp2:
0x27: {  	_ = 	snop;
	(pc) =	sbr.rel @p1 .LBB2_5-.Ltmp2, $1  }
0x28: {  	_ =	sdelay $0x3  }
0x29: {  	s14 =	simm.s32 $0x1  }
0x2a: {  	_ =	swait.ge [sflag:s7], $0x200;
	s14 =	simm.s32 @!p0 $0x0  }
0x2b: {  	[sflag:s7] =	ssyncset.done $0x0;
	s14 =	sshll.u32 s14, $0x9  }
0x2c: {  	[sflag:s7] =	ssyncadd.s32 $0xFFFFFE00;
	(ifvalue) =	ssetifvalue $0x7FFFFFFF;
	v0 =	vld.msk [tilespmem:s14+$0x0 ss:$0x1], $0xffff;
	_ =	sdelay $0x4  }
0x2d: {  	s15 =	sadd.s32 $0x10, s14;
	vm1 =	vgt.s32 v0, $0x0  }
0x2e: {  	v2 =	vld.msk [tilespmem:s15+$0x0 ss:$0x1], $0xffff;
	v1 =	vnsel vm1, $0x0, v0  }
0x2f: {  	v1 =	vmin.u32 v1, $0x7FFF;
	_ =	sdelay $0x1  }
0x30: {  	s16 =	sshll.u32 s12, $0x9;
	s18 =	simm.s32 $0x20  }
0x31: {  	s16 =	sand.u32 $0x200, s16;
	s17 =	sadd.s32 $0x10, s15;
	s15 =	sor.u32 $0x400, s14  }
0x32: {  	s14 =	sor.u32 $0x400, s16;
	s16 =	sadd.s32 $0x10, s15;
	v0 =	vld.msk [tilespmem:s17+$0x0 ss:$0x1], $0xffff;
	vm1 =	vgt.s32 v2, $0x0;
	(ifvalue) =	ssetifvalue $0x7FFFFFFF  }
.LBB2_3:
0x33: {  	[tilespmem:s15], [sflag:$0x1] =	stream.indirect_vreg.gather [hbm4b:s2+s10], $0x1, v1, vm0, $0x4038;
	[tilespmem:$0x800] =	vst v63  }
0x34: {  	s18 =	sadd.s32 $0x10, s18  }
0x35: {  	v2 =	vnsel vm1, $0x0, v2;
	p1 =	slt.u32 s18, $0x1F0  }
.Ltmp3:
0x36: {  	s15 =	smov.u32 s16;
	v1 =	vmin.u32 v2, $0x7FFF;
	(pc) =	sbr.rel @p1 .LBB2_3-.Ltmp3, $3  }
0x37: {  	_ =	sdelay $0x1  }
0x38: {  	s17 =	sadd.s32 $0x10, s17  }
0x39: {  	vm1 =	vgt.s32 v0, $0x0;
	s16 =	sadd.s32 $0x10, s16;
	v2 =	vmov v0;
	(ifvalue) =	ssetifvalue $0x7FFFFFFF;
	v0 =	vld.msk [tilespmem:s17+$0x0 ss:$0x1], $0xffff  }
.Ltmp4:
0x3a: {  	_ = 	snop;
	(pc) =	sbr.rel .LBB2_4-.Ltmp4, $1  }
0x3b: {  	_ =	sdelay $0x3  }
.LBB2_6:
0x3c: {  	_ =	sfence.sel $0x180000  }
0x3d: {  	s2 =	simm.s32 $0x2;
	[bflag:$0x0] =	sbarrier.arrive $0xFFFF  }
0x3e: {  	s30 =	simm.s32 $0x3;
	[sflag:s2] =	ssyncpa.u1 $0x1  }
0x3f: {  	s31 =	simm.s32 $0x1;
	[sflag:s30] =	ssyncpa.u1 $0x1  }
0x40: {  	[sflag:s31] =	ssyncpa.u1 $0x1  }
0x41: {  	p0 =	sne.s32 s0, $0x0;
	_ =	strace $0x90000047  }
0x42: {  	s0 =	sadd.s32 @!p0 $0x100000, s1;
	[bflag:$0x2] =	sbarrier.arrive $0xFFFF  }
0x43: {  	[sflag:s0] =	ssyncadd.tile.s32 @!p0 $0x1;
	_ =	shalt  }
.Lfunc_end2:
_tile_overlayer_lowered:
.L_overlay_start_2:
0x44: {  	(tag) =	ssettag $0x2  }
0x45: {  	s0 =	rddreg [dreg:$0x0];
	s2 =	stileid.u32  }
0x46: {  	s1 =	rddreg [dreg:$0x1];
	p0 =	sne.s32 s2, $0x0  }
0x47: {  	s3 =	rddreg [dreg:$0x2];
	[bflag:$0x3] =	sbarrier.arrive $0xFFFF;
	s2 =	simm.s32 @!p0 $0x1C01  }
0x48: {  	[timem:s3], [sflag:s2] =	dma.local @!p0 [hbm:s0], s1  }
0x49: {  	s0 =	simm.s32 @!p0 $0x1  }
0x4a: {  	_ =	swait.ge @!p0 [sflag:s0], s1  }
0x4b: {  	s1 =	ssub.s32 @!p0 $0x0, s1;
	[sflag:s0] =	ssyncset.done @!p0 $0x0  }
0x4c: {  	[sflag:s0] =	ssyncadd.s32 @!p0 s1  }
0x4d: {  	[bflag:$0x3] =	sbarrier.arrive $0xFFFF  }
0x4e: {  	_ =	shalt  }

// kernel: kernel.3.cloned.1.call-start
scs
__scs_entry_jumppad:
0x0: {  	(pc) =	sbr.rel $0x88, $3  }
0x1: {  	(tag) =	ssettag $0x0;
	lr =	simm.s32 $0x1  }
0x2: {  	[smem:$0x3F9E] =	sst lr;
	_ =	strace $0xD0000000  }
0x3: {  	_ = 	snop  }
0x4: {  	_ = 	snop  }
0x5: {  	_ = 	snop  }
0x6: {  	_ = 	snop  }
0x7: {  	_ = 	snop  }
__scs_overlays_trampoline_lowered:
0x8: {  	[smem:$0x3FAD] =	sst s0  }
0x9: {  	[smem:$0x3FAE] =	sst s1  }
0xa: {  	[smem:$0x3FAF] =	sst s2  }
0xb: {  	[smem:$0x3FB0] =	sst s3  }
0xc: {  	[smem:$0x3FB1] =	sst s4  }
0xd: {  	[smem:$0x3FB2] =	sst s5  }
0xe: {  	[smem:$0x3FB3] =	sst s6  }
0xf: {  	[smem:$0x3FB4] =	sst s7  }
0x10: {  	[smem:$0x3FB5] =	sst s8  }
0x11: {  	[smem:$0x3FB6] =	sst s9;
	s0 =	simm.s32 @!p0 $0x0  }
0x12: {  	s1 =	sld [smem:$0x3F9C];
	s0 =	simm.s32 @p0 $0x1  }
0x13: {  	[smem:$0x3FB7] =	sst s0;
	s0 =	simm.s32 @!p1 $0x0  }
0x14: {  	s2 =	sld [smem:$0x3F9B];
	s0 =	simm.s32 @p1 $0x1  }
0x15: {  	[smem:$0x3FB8] =	sst s0;
	s0 =	simm.s32 @!p2 $0x0  }
0x16: {  	s3 =	sld [smem:$0x3FDB];
	s0 =	simm.s32 @p2 $0x1  }
0x17: {  	s4 =	simm.s32 $0x1BF5;
	[smem:$0x3FBA] =	sst s0  }
0x18: {  	s0 =	sld [smem:$0x3F9D];
	_ =	swait.ge [sflag:s4], $0x0  }
0x19: {  	s7 =	sld [smem:$0x3F9E]  }
0x1a: {  	s8 =	sadd.s32 $0xFFFFE003, lr  }
0x1b: {  	s9 =	sadd.s32 $0xFFFFFEF7, lr;
	s5 =	simm.s32 $0xFFFFFFFF;
	p2 =	slt.u32 s8, $0xFFFFF086  }
0x1c: {  	p1 =	slt.u32 s9, $0xF7A;
	s5 =	simm.s32 @!p2 $0x0  }
0x1d: {  	s5 =	simm.s32 @p1 $0x1;
	p0 =	seq.s32 s7, s2  }
0x1e: {  	s7 =	smul.u32 @!p0 $0xF7A, s2;
	p2 =	seq.s32 @!p0 s5, $0x0  }
0x1f: {  	s9 =	smul.u32 $0xF7A, s1;
	s8 =	simm.s32 @!p0 $0x1BF5;
	p2 =	por !p2, p0  }
0x20: {  	[sflag:s8] =	ssyncset.s32 @!p0 $0xFFFFF086;
	s6 =	sadd.s32 @!p0 s3, s7;
	s7 =	simm.s32 @!p0 $0x108  }
0x21: {  	s3 =	sadd.s32 s3, s9;
	s6 =	sadd.s32 @!p0 $0x88, s6;
	s7 =	simm.s32 @p2 $0x1082  }
0x22: {  	[simem:s7], [sflag:s8] =	dma.local @!p0 [hbm:s6], $0xF7A  }
0x23: {  	s9 =	sor.u32 $0xD0000000, s2;
	s6 =	simm.s32 $0x108;
	_ =	swait.ge @!p0 [sflag:s8], $0x0  }
0x24: {  	s3 =	sadd.s32 $0x88, s3;
	s6 =	simm.s32 @!p1 $0x1082;
	[sflag:s4] =	ssyncset.s32 $0xFFFFF086  }
0x25: {  	[simem:s6], [sflag:s4] =	dma.local [hbm:s3], $0xF7A  }
0x26: {  	[smem:$0x3F9E] =	sst s1;
	(tag) =	ssettag s2;
	_ =	strace s9  }
0x27: {  	s1 =	sld [smem:$0x3FAE]  }
0x28: {  	s2 =	sld [smem:$0x3FAF]  }
0x29: {  	s4 =	sld [smem:$0x3FB1]  }
0x2a: {  	p0 =	seq.s32 s5, $0x0;
	s5 =	sld [smem:$0x3FB2]  }
0x2b: {  	s6 =	sld [smem:$0x3FB3]  }
0x2c: {  	s7 =	sld [smem:$0x3FB4]  }
0x2d: {  	s3 =	simm.s32 $0x108;
	s8 =	sld [smem:$0x3FB5]  }
0x2e: {  	s3 =	simm.s32 @!p0 $0x1082;
	s9 =	sld [smem:$0x3FB6]  }
0x2f: {  	lr =	sadd.s32 s0, s3;
	s0 =	sld [smem:$0x3FAD]  }
0x30: {  	s3 =	sld [smem:$0x3FB0]  }
0x31: {  	[smem:$0x3FB9] =	sst s10  }
0x32: {  	s10 =	sld [smem:$0x3FB7];
	_ =	sdelay $0x3  }
0x33: {  	p0 =	seq.s32 s10, $0x1;
	s10 =	sld [smem:$0x3FB9];
	_ =	sdelay $0x3  }
0x34: {  	[smem:$0x3FB9] =	sst s10  }
0x35: {  	s10 =	sld [smem:$0x3FB8];
	_ =	sdelay $0x3  }
0x36: {  	p1 =	seq.s32 s10, $0x1;
	s10 =	sld [smem:$0x3FB9];
	_ =	sdelay $0x3  }
0x37: {  	[smem:$0x3FB9] =	sst s10  }
0x38: {  	s10 =	sld [smem:$0x3FBA]  }
0x39: {  	_ = 	snop;
	(pc) =	sbr.ind lr, $3  }
0x3a: {  	_ = 	snop  }
0x3b: {  	_ = 	snop  }
0x3c: {  	p2 =	seq.s32 s10, $0x1;
	s10 =	sld [smem:$0x3FB9]  }
0x3d: {  	_ =	shalt  }
0x3e: {  	_ =	shalt  }
0x3f: {  	_ =	shalt  }
0x40: {  	_ =	shalt  }
0x41: {  	_ =	shalt  }
0x42: {  	_ =	shalt  }
0x43: {  	_ =	shalt  }
0x44: {  	_ =	shalt  }
0x45: {  	_ =	shalt  }
0x46: {  	_ =	shalt  }
0x47: {  	_ =	shalt  }
0x48: {  	_ =	shalt  }
0x49: {  	_ =	shalt  }
0x4a: {  	_ =	shalt  }
0x4b: {  	_ =	shalt  }
0x4c: {  	_ =	shalt  }
0x4d: {  	_ =	shalt  }
0x4e: {  	_ =	shalt  }
0x4f: {  	_ =	shalt  }
0x50: {  	_ =	shalt  }
0x51: {  	_ =	shalt  }
0x52: {  	_ =	shalt  }
0x53: {  	_ =	shalt  }
0x54: {  	_ =	shalt  }
0x55: {  	_ =	shalt  }
0x56: {  	_ =	shalt  }
0x57: {  	_ =	shalt  }
0x58: {  	_ =	shalt  }
0x59: {  	_ =	shalt  }
0x5a: {  	_ =	shalt  }
0x5b: {  	_ =	shalt  }
0x5c: {  	_ =	shalt  }
0x5d: {  	_ =	shalt  }
0x5e: {  	_ =	shalt  }
0x5f: {  	_ =	shalt  }
0x60: {  	_ =	shalt  }
0x61: {  	_ =	shalt  }
0x62: {  	_ =	shalt  }
0x63: {  	_ =	shalt  }
0x64: {  	_ =	shalt  }
0x65: {  	_ =	shalt  }
0x66: {  	_ =	shalt  }
0x67: {  	_ =	shalt  }
0x68: {  	_ =	shalt  }
0x69: {  	_ =	shalt  }
0x6a: {  	_ =	shalt  }
0x6b: {  	_ =	shalt  }
0x6c: {  	_ =	shalt  }
0x6d: {  	_ =	shalt  }
0x6e: {  	_ =	shalt  }
0x6f: {  	_ =	shalt  }
0x70: {  	_ =	shalt  }
0x71: {  	_ =	shalt  }
0x72: {  	_ =	shalt  }
0x73: {  	_ =	shalt  }
0x74: {  	_ =	shalt  }
0x75: {  	_ =	shalt  }
0x76: {  	_ =	shalt  }
0x77: {  	_ =	shalt  }
0x78: {  	_ =	shalt  }
0x79: {  	_ =	shalt  }
0x7a: {  	_ =	shalt  }
0x7b: {  	_ =	shalt  }
0x7c: {  	_ =	shalt  }
0x7d: {  	_ =	shalt  }
0x7e: {  	_ =	shalt  }
0x7f: {  	_ =	shalt  }
0x80: {  	_ =	shalt  }
0x81: {  	_ =	shalt  }
0x82: {  	_ =	shalt  }
0x83: {  	_ =	shalt  }
0x84: {  	_ =	shalt  }
0x85: {  	_ =	shalt  }
0x86: {  	_ =	shalt  }
0x87: {  	_ =	shalt  }
.Lfunc_end0:
.L_simem_size_0:
called_computation.1_lowered:
.L_overlay_start_0:
0x88: {  	s2 =	sld [smem:$0x3FD9]  }
0x89: {  	s3 =	sld [smem:$0x3FFE];
	_ =	sdelay $0x1  }
0x8a: {  	s1 =	srdreg.scid  }
0x8b: {  	s0 =	sand.u32 $0x1, s1  }
0x8c: {  	s17 =	sshll.u32 s0, $0xA;
	s2 =	sadd.s32 s3, s2  }
0x8d: {  	s2 =	sadd.s32 s2, s17  }
0x8e: {  	[smem:$0x3FC5] =	sst s2  }
0x8f: {  	_ = 	snop  }
0x90: {  	s2 =	sld [smem:$0x3FC8]  }
0x91: {  	s18 =	sld [smem:$0x3FC7]  }
0x92: {  	s4 =	sld [smem:$0x3FD0];
	(tm) =	ssettm $0x1  }
0x93: {  	s5 =	sld [smem:$0x3FFB];
	_ =	sdelay $0x3  }
0x94: {  	_ =	strace s5  }
0x95: {  	s5 =	sld [smem:$0x3FFC];
	_ =	sdelay $0x3  }
0x96: {  	_ =	strace s5  }
0x97: {  	s5 =	sld [smem:$0x3FFD];
	_ =	sdelay $0x3  }
0x98: {  	_ =	strace s5  }
0x99: {  	_ =	strace $0x8FFFFFFF  }
0x9a: {  	s19 =	sld [smem:$0x3FDB];
	_ =	sdelay $0x1  }
0x9b: {  	s6 =	simm.s32 $_scs_section_size  }
0x9c: {  	s7 =	simm.s32 $_size__tile_overlayer_lowered;
	s8 =	simm.s32 $_tile_overlayer_lowered  }
0x9d: {  	s22 =	simm.s32 $0x1BFF;
	s21 =	sshll.u32 s8, $0x1;
	s5 =	sadd.s32 s6, s19  }
0x9e: {  	s9 =	simm.s32 $0x0;
	s20 =	sshll.u32 s7, $0x1;
	s7 =	sadd.s32 s21, s5  }
0x9f: {  	[timem:s9], [sflag:s22] =	dma.local [hbm:s7], s20  }
0xa0: {  	_ =	swait.ge [sflag:s22], s20  }
0xa1: {  	s6 =	ssub.s32 $0x0, s20;
	[sflag:s22] =	ssyncset.done $0x0  }
0xa2: {  	[sflag:s22] =	ssyncadd.s32 s6;
	_ =	sdelay $0x1  }
0xa3: {  	s23 =	simm.s32 $0x1B8B  }
0xa4: {  	_ =	swait.ge [sflag:s23], $0x1  }
0xa5: {  	[sflag:s23] =	ssyncset.done $0x0  }
0xa6: {  	s25 =	simm.s32 $0x1B8E;
	s24 =	sld [smem:$0x3FFE];
	[sflag:s23] =	ssyncadd.s32 $0xFFFFFFFF  }
0xa7: {  	s26 =	simm.s32 $execute0_lowered;
	[smem:$0x3FD2] =	sst s25  }
0xa8: {  	s7 =	sshll.u32 s26, $0x1;
	_ =	strace $0x80000049;
	[dreg:$0x1] =	wrdreg $0xFFFFFFFF  }
0xa9: {  	s28 =	simm.s32 $_size_execute0_lowered;
	s5 =	sadd.s32 s5, s7;
	[dreg:$0x0] =	wrdreg $0x0  }
0xaa: {  	s7 =	sshll.u32 s28, $0x1;
	[dreg:$0x2] =	wrdreg s5  }
0xab: {  	[dreg:$0x3] =	wrdreg s7  }
0xac: {  	[dreg:$0x4] =	wrdreg $0xC0  }
0xad: {  	_ =	task [dreg:s9], $0x5FFFF  }
0xae: {  	[dreg:$0x1] =	wrdreg $0xFFFFFFFF  }
0xaf: {  	[dreg:$0x0] =	wrdreg $0x60  }
0xb0: {  	[dreg:$0x2] =	wrdreg s4  }
0xb1: {  	[dreg:$0x3] =	wrdreg s24  }
0xb2: {  	[dreg:$0x4] =	wrdreg s2  }
0xb3: {  	[dreg:$0x5] =	wrdreg s18  }
0xb4: {  	[dreg:$0x6] =	wrdreg $0x9  }
0xb5: {  	_ =	task.clear_ibuf [dreg:s9], $0x7FFFF;
	_ =	strace $0x90000049  }
0xb6: {  	s29 =	simm.s32 $0x9;
	_ =	strace $0x8000004B  }
0xb7: {  	_ =	swait.ge [sflag:s29], $0x1  }
0xb8: {  	[sflag:s29] =	ssyncadd.s32 $0xFFFFFFFF  }
0xb9: {  	_ =	strace $0x9000004B  }
0xba: {  	_ =	sfence  }
0xbb: {  	s30 =	sld [smem:$0x0];
	_ =	sdelay $0x2  }
0xbc: {  	s31 =	sshll.u32 s1, $0xD;
	s1 =	sshrl.u32 s1, $0x2  }
0xbd: {  	s3 =	sand.u32 $0x4000, s31;
	s1 =	sadd.s32 s1, s30  }
0xbe: {  	s0 =	sor.u32 s3, s0;
	s1 =	sshll.u32 s1, $0x11  }
0xbf: {  	s0 =	sor.u32 s1, s0  }
0xc0: {  	s0 =	sadd.s32 $0x8F2B, s0  }
0xc1: {  	[sflag:s0] =	ssyncadd.remote.s32 $0x1  }
0xc2: {  	_ =	sfence.sel $0xFFFF  }
0xc3: {  	[dreg:$0x0] =	wrdreg $0xFFFFFFFF;
	(pc) =	sbr.abs _section_cstart, $3  }
0xc4: {  	[dreg:$0x1] =	wrdreg $0xFFFFFFFF  }
0xc5: {  	_ =	task.clear_ibuf [dreg:s9], $0x2FFFF;
	_ =	strace $0x9FFFFFFF  }
0xc6: {  	(tm) =	ssettm $0x7FFFFFFF  }
0xc7: {  	_ =	shalt  }
tec
execute0_lowered:
.L_overlay_start_1:
0x0: {  	(tag) =	ssettag $0x1  }
0x1: {  	v0 =	vimm.s32 $0xF80;
	vm14 =	vcmask $0x300  }
0x2: {  	vm13 =	vcmask $0x704;
	vm12 =	vcmask $0xB08;
	vm11 =	vcmask $0xF0C  }
0x3: {  	vm10 =	vcmask $0x1310;
	vm9 =	vcmask $0x1714;
	vm8 =	vcmask $0x1B18  }
0x4: {  	vm7 =	vcmask $0x1F1C;
	vm6 =	vcmask $0x2320;
	vm5 =	vcmask $0x2724  }
0x5: {  	vm4 =	vcmask $0x2B28;
	vm3 =	vcmask $0x2F2C;
	vm2 =	vcmask $0x3330  }
0x6: {  	vm1 =	vcmask $0x3734;
	vm0 =	vcmask $0x3B38;
	v1 =	vimm.f32 $0.0e+00  }
0x7: {  	v2 =	vimm.s32 $0x2780;
	v3 =	vimm.s32 $0x3F80;
	v4 =	vimm.s32 $0x5780  }
0x8: {  	v0 =	vsel vm14, $0x0, v0;
	v2 =	vsel vm14, $0x1800, v2;
	v3 =	vsel vm14, $0x3000, v3  }
0x9: {  	v4 =	vsel vm14, $0x4800, v4;
	v0 =	vsel vm13, $0x80, v0;
	v2 =	vsel vm13, $0x1880, v2  }
0xa: {  	v3 =	vsel vm13, $0x3080, v3;
	v4 =	vsel vm13, $0x4880, v4;
	v0 =	vsel vm12, $0x100, v0  }
0xb: {  	v2 =	vsel vm12, $0x1900, v2;
	v3 =	vsel vm12, $0x3100, v3;
	v4 =	vsel vm12, $0x4900, v4  }
0xc: {  	s1 =	rddreg [dreg:$0x0];
	v0 =	vsel vm11, $0x180, v0;
	v2 =	vsel vm11, $0x1980, v2;
	v3 =	vsel vm11, $0x3180, v3  }
0xd: {  	s3 =	rddreg [dreg:$0x1];
	v4 =	vsel vm11, $0x4980, v4;
	v0 =	vsel vm10, $0x200, v0;
	v2 =	vsel vm10, $0x1A00, v2  }
0xe: {  	s0 =	rddreg [dreg:$0x2];
	v3 =	vsel vm10, $0x3200, v3;
	v4 =	vsel vm10, $0x4A00, v4;
	v0 =	vsel vm9, $0x280, v0  }
0xf: {  	s2 =	rddreg [dreg:$0x3];
	s5 =	simm.s32 $0x0;
	s4 =	srdreg.scid;
	v2 =	vsel vm9, $0x1A80, v2;
	v3 =	vsel vm9, $0x3280, v3;
	v4 =	vsel vm9, $0x4A80, v4  }
0x10: {  	s6 =	stileid.u32;
	s9 =	simm.s32 $0x80;
	s11 =	simm.s32 $0x3;
	v0 =	vsel vm8, $0x300, v0;
	v2 =	vsel vm8, $0x1B00, v2;
	v3 =	vsel vm8, $0x3300, v3  }
0x11: {  	s13 =	simm.s32 $0x1;
	s15 =	simm.s32 $0xC00;
	s16 =	simm.s32 $0xC900;
	v4 =	vsel vm8, $0x4B00, v4;
	v0 =	vsel vm7, $0x380, v0;
	v2 =	vsel vm7, $0x1B80, v2  }
0x12: {  	s17 =	simm.s32 $0x12900;
	s18 =	simm.s32 $0x900;
	s19 =	simm.s32 $0x6900;
	v3 =	vsel vm7, $0x3380, v3;
	v4 =	vsel vm7, $0x4B80, v4;
	v0 =	vsel vm6, $0xC00, v0  }
0x13: {  	s20 =	simm.s32 $0x1C900;
	s21 =	simm.s32 $0x18900;
	s22 =	simm.s32 $0x2;
	v2 =	vsel vm6, $0x2400, v2;
	v3 =	vsel vm6, $0x3C00, v3;
	v4 =	vsel vm6, $0x5400, v4  }
0x14: {  	[smem:$0x7FF] =	sst s5;
	s4 =	sand.u32 $0x1, s4;
	s26 =	sshll.u32 s6, $0x5;
	v0 =	vsel vm5, $0xC80, v0;
	v2 =	vsel vm5, $0x2480, v2;
	v3 =	vsel vm5, $0x3C80, v3  }
0x15: {  	s6 =	sshll.u32 s6, $0x8;
	s7 =	sshll.u32 s4, $0x4;
	s5 =	sand.u32 $0x60, s26;
	v4 =	vsel vm5, $0x5480, v4;
	v0 =	vsel vm4, $0xD00, v0;
	v2 =	vsel vm4, $0x2500, v2  }
0x16: {  	s6 =	sand.u32 $0xC00, s6;
	s4 =	ssub.s32 $0x2, s4;
	s5 =	sor.u32 s7, s5;
	v3 =	vsel vm4, $0x3D00, v3;
	v4 =	vsel vm4, $0x5500, v4;
	v0 =	vsel vm3, $0xD80, v0  }
.Ltmp0:
0x17: {  	s28 =	sshrl.u32 s4, $0x1;
	s6 =	sor.u32 s6, s5;
	v2 =	vsel vm3, $0x2580, v2;
	v3 =	vsel vm3, $0x3D80, v3;
	v4 =	vsel vm3, $0x5580, v4;
	(pc) =	sbr.rel .LBB2_1-.Ltmp0, $4  }
0x18: {  	_ =	strace $0x8000004A;
	s29 =	ssub.s32 s4, s28;
	s1 =	sadd.s32 s1, s6;
	v0 =	vsel vm2, $0xE00, v0;
	v2 =	vsel vm2, $0x2600, v2;
	v3 =	vsel vm2, $0x3E00, v3  }
0x19: {  	s8 =	sadd.s32 s6, s3;
	s31 =	smax.u32 s29, $0x1;
	[dreg:$0x5] =	wrdreg s1;
	v4 =	vsel vm2, $0x5600, v4;
	v0 =	vsel vm1, $0xE80, v0;
	v2 =	vsel vm1, $0x2680, v2  }
0x1a: {  	s23 =	simm.s32 $0x0;
	s30 =	sadd.s32 $0x2000, s8;
	[dreg:$0x7] =	wrdreg s31;
	v3 =	vsel vm1, $0x3E80, v3;
	v4 =	vsel vm1, $0x5680, v4;
	v0 =	vsel vm0, $0xF00, v0  }
0x1b: {  	s5 =	sadd.s32 $0x3000, s3;
	s6 =	simm.s32 $0x7A1400;
	[dreg:$0x6] =	wrdreg s30;
	v2 =	vsel vm0, $0x2700, v2;
	v3 =	vsel vm0, $0x3F00, v3;
	v4 =	vsel vm0, $0x5700, v4  }
.LBB2_17:
0x1c: {  	_ =	swait.ge [sflag:s13], $0x6000  }
0x1d: {  	[sflag:s13] =	ssyncset.done $0x0  }
0x1e: {  	[sflag:s13] =	ssyncadd.s32 $0xFFFFA000  }
0x1f: {  	_ =	swait.ge [sflag:s13], $0x6000  }
0x20: {  	s23 =	sadd.s32 $0x1, s23;
	s1 =	rddreg [dreg:$0x7]  }
0x21: {  	p0 =	sne.s32 s23, s1  }
.Ltmp1:
0x22: {  	_ = 	snop;
	(pc) =	sbr.rel @!p0 .LBB2_18-.Ltmp1, $3  }
0x23: {  	_ =	sdelay $0x1  }
0x24: {  	[sflag:s13] =	ssyncset.done $0x0  }
0x25: {  	s6 =	simm.s32 $0x7A1400;
	[sflag:s13] =	ssyncadd.s32 $0xFFFFA000  }
.LBB2_1:
0x26: {  	s1 =	simm.s32 $0x0;
	s3 =	rddreg [dreg:$0x5];
	s4 =	simm.s32 $0x400  }
0x27: {  	[tilespmem:s1], [sflag:$0x3] =	stream.strided.gather [hbm4b:s3+s9], $0x400, s4, s9, $0x38;
	[tilespmem:$0x1CD00] =	vst v63  }
0x28: {  	_ =	swait.ge [sflag:s11], $0x400  }
0x29: {  	[sflag:s11] =	ssyncset.done $0x0  }
0x2a: {  	s28 =	simm.s32 $0x480;
	s26 =	rddreg [dreg:$0x6];
	[sflag:s11] =	ssyncadd.s32 $0xFFFFFC00  }
0x2b: {  	[tilespmem:s28], [sflag:$0x3] =	stream.strided.gather [hbm4b:s26+s9], $0x400, s4, s9, $0x38;
	[tilespmem:$0x1CD00] =	vst v63  }
0x2c: {  	_ =	swait.ge [sflag:s11], $0x400  }
0x2d: {  	[sflag:s11] =	ssyncset.done $0x0  }
0x2e: {  	[sflag:s11] =	ssyncadd.s32 $0xFFFFFC00  }
0x2f: {  	v5 =	vld [tilespmem:$0x0];
	_ =	sdelay $0x4  }
0x30: {  	(v2sf) =	vpush v5, $0x0;
	_ =	sdelay $0xe  }
0x31: {  	s29 =	spop (v2sf)  }
0x32: {  	s30 =	smulhi.u32 $0x2AAAAAAB, s29;
	s31 =	sshra.s32 s29, $0x1F  }
0x33: {  	s4 =	smul.u32 $0x2AAAAAAB, s31;
	_ =	sdelay $0x1  }
0x34: {  	s3 =	sadd.s32 s4, s30  }
0x35: {  	s4 =	sshrl.u32 s3, $0x1F;
	s3 =	sshra.s32 s3, $0x6  }
0x36: {  	s3 =	sadd.s32 s4, s3  }
0x37: {  	s4 =	smul.u32 $0xFFFFFE80, s3  }
0x38: {  	s24 =	ssub.s32 $0x0, s29  }
0x39: {  	p0 =	slt.s32 s29, $0x1;
	p1 =	sne.s32 s4, s24  }
0x3a: {  	p0 =	por !p0, !p1  }
0x3b: {  	s1 =	simm.s32 $0x1;
	p0 =	por !p0, !p0  }
0x3c: {  	s1 =	simm.s32 @!p0 $0x0  }
0x3d: {  	s4 =	ssub.s32 s3, s1  }
0x3e: {  	s1 =	sand.u32 $0x1, s4  }
0x3f: {  	p0 =	seq.s32 s1, $0x0  }
.Ltmp2:
0x40: {  	_ = 	snop;
	(pc) =	sbr.rel @!p0 .LBB2_3-.Ltmp2, $3  }
0x41: {  	s3 =	smul.u32 $0xC00, s4;
	_ =	sdelay $0x1  }
0x42: {  	s3 =	sshrl.u32 s3, $0x3  }
0x43: {  	s24 =	sadd.s32 s0, s3;
	s3 =	sadd.s32 s2, s3  }
0x44: {  	[tilespmem:s18], [sflag:$0x3] =	stream.strided.gather [hbm4b:s24+s15], $0x6000, s6, s15, $0x38;
	[tilespmem:$0x1CD00] =	vst v63  }
0x45: {  	_ =	swait.ge [sflag:s11], $0x6000  }
0x46: {  	[sflag:s11] =	ssyncset.done $0x0  }
.Ltmp3:
0x47: {  	[sflag:s11] =	ssyncadd.s32 $0xFFFFA000;
	(pc) =	sbr.rel @p0 .LBB2_4-.Ltmp3, $4  }
0x48: {  	[tilespmem:s19], [sflag:$0x3] =	stream.strided.gather [hbm4b:s3+s15], $0x6000, s6, s15, $0x38;
	[tilespmem:$0x1CD00] =	vst v63  }
0x49: {  	_ =	swait.ge [sflag:s11], $0x6000  }
0x4a: {  	[sflag:s11] =	ssyncset.done $0x0  }
0x4b: {  	[sflag:s11] =	ssyncadd.s32 $0xFFFFA000  }
.LBB2_3:
0x4c: {  	[tilespmem:s16], [sflag:$0x3] =	stream.strided.gather [hbm4b:s24+s15], $0x6000, s6, s15, $0x38;
	[tilespmem:$0x1CD00] =	vst v63  }
0x4d: {  	_ =	swait.ge [sflag:s11], $0x6000  }
0x4e: {  	[sflag:s11] =	ssyncset.done $0x0  }
0x4f: {  	[sflag:s11] =	ssyncadd.s32 $0xFFFFA000  }
0x50: {  	[tilespmem:s17], [sflag:$0x3] =	stream.strided.gather [hbm4b:s3+s15], $0x6000, s6, s15, $0x38;
	[tilespmem:$0x1CD00] =	vst v63  }
0x51: {  	_ =	swait.ge [sflag:s11], $0x6000  }
0x52: {  	[sflag:s11] =	ssyncset.done $0x0  }
0x53: {  	[sflag:s11] =	ssyncadd.s32 $0xFFFFA000  }
.LBB2_4:
0x54: {  	s3 =	sadd.s32 $0x1, s4  }
0x55: {  	p0 =	slt.s32 s3, $0xA2C;
	s24 =	sand.u32 $0x1, s3  }
0x56: {  	s3 =	simm.s32 @!p0 $0xA2C;
	p0 =	seq.s32 s24, $0x0  }
.Ltmp4:
0x57: {  	_ = 	snop;
	(pc) =	sbr.rel @!p0 .LBB2_6-.Ltmp4, $3  }
0x58: {  	s3 =	smul.u32 $0xC00, s3;
	_ =	sdelay $0x1  }
0x59: {  	s25 =	sshrl.u32 s3, $0x3  }
0x5a: {  	s3 =	sadd.s32 s0, s25;
	s24 =	sadd.s32 s2, s25  }
0x5b: {  	p0 =	sne.s32 s1, $0x0  }
.Ltmp5:
0x5c: {  	_ = 	snop;
	(pc) =	sbr.rel @p0 .LBB2_7-.Ltmp5, $4  }
0x5d: {  	_ = 	snop  }
0x5e: {  	[tilespmem:s18], [sflag:$0x1] =	stream.strided.gather [hbm4b:s3+s15], $0x6000, s6, s15, $0x38;
	[tilespmem:$0x1CD00] =	vst v63  }
0x5f: {  	_ = 	snop  }
0x60: {  	[tilespmem:s19], [sflag:$0x1] =	stream.strided.gather [hbm4b:s24+s15], $0x6000, s6, s15, $0x38;
	[tilespmem:$0x1CD00] =	vst v63  }
.LBB2_6:
0x61: {  	[tilespmem:s16], [sflag:$0x1] =	stream.strided.gather [hbm4b:s3+s15], $0x6000, s6, s15, $0x38;
	[tilespmem:$0x1CD00] =	vst v63  }
0x62: {  	_ = 	snop  }
0x63: {  	[tilespmem:s17], [sflag:$0x1] =	stream.strided.gather [hbm4b:s24+s15], $0x6000, s6, s15, $0x38;
	[tilespmem:$0x1CD00] =	vst v63  }
.LBB2_7:
.Ltmp6:
0x64: {  	(pc) =	sbr.rel .LBB2_8-.Ltmp6, $2  }
0x65: {  	_ =	sdelay $0x2  }
0x66: {  	s25 =	simm.s32 $0x0;
	s26 =	simm.s32 $0x480;
	s28 =	simm.s32 $0x0  }
.LBB2_16:
0x67: {  	s28 =	sadd.s32 $0x1, s28  }
0x68: {  	p0 =	sne.s32 s28, $0x8  }
.Ltmp7:
0x69: {  	_ = 	snop;
	(pc) =	sbr.rel @!p0 .LBB2_17-.Ltmp7, $4  }
0x6a: {  	[hbm4b:s5+s9] =	stream.indirect.scatter [tilespmem:s21], [sflag:$0x2], $0x80, s20, s9, $0xb8;
	[tilespmem:$0x1CD00] =	vst v63  }
0x6b: {  	_ =	swait.ge [sflag:s22], $0x4000  }
0x6c: {  	[sflag:s22] =	ssyncset.done $0x0  }
0x6d: {  	s25 =	sadd.s32 $0x80, s25;
	s26 =	sadd.s32 $0x80, s26;
	[sflag:s22] =	ssyncadd.s32 $0xFFFFC000  }
.LBB2_8:
.Ltmp8:
0x6e: {  	(pc) =	sbr.rel .LBB2_9-.Ltmp8, $3  }
0x6f: {  	_ =	sdelay $0x1  }
0x70: {  	s29 =	simm.s32 $0x18940;
	s30 =	smov.u32 s26  }
0x71: {  	s31 =	smov.u32 s25;
	s24 =	smov.u32 s4;
	s1 =	simm.s32 $0x0  }
.LBB2_15:
0x72: {  	v6 =	vmov s1;
	s1 =	sadd.s32 $0x1, s1  }
0x73: {  	p0 =	sne.s32 s1, $0x80  }
.Ltmp9:
0x74: {  	_ = 	snop;
	(pc) =	sbr.rel @!p0 .LBB2_16-.Ltmp9, $3  }
0x75: {  	_ =	sdelay $0x1  }
0x76: {  	s31 =	sadd.s32 $0x1, s31  }
0x77: {  	s30 =	sadd.s32 $0x1, s30;
	s29 =	sadd.s32 $0x80, s29;
	s24 =	smov.u32 s4;
	[tilespmem:v6+s20+$0x0] =	vst.idx.msk $0x1, v5  }
.LBB2_9:
0x78: {  	v5 =	vld [tilespmem:s31+$0x0];
	_ =	sdelay $0x4  }
0x79: {  	(v2sf) =	vpush v5, $0x0;
	_ =	sdelay $0xe  }
0x7a: {  	s3 =	spop (v2sf)  }
0x7b: {  	s4 =	smulhi.u32 $0x2AAAAAAB, s3;
	s12 =	sshra.s32 s3, $0x1F  }
0x7c: {  	s12 =	smul.u32 $0x2AAAAAAB, s12;
	_ =	sdelay $0x1  }
0x7d: {  	s4 =	sadd.s32 s12, s4  }
0x7e: {  	s12 =	sshrl.u32 s4, $0x1F;
	s4 =	sshra.s32 s4, $0x6  }
0x7f: {  	s4 =	sadd.s32 s12, s4  }
0x80: {  	s12 =	smul.u32 $0xFFFFFE80, s4  }
0x81: {  	s10 =	ssub.s32 $0x0, s3  }
0x82: {  	p0 =	slt.s32 s3, $0x1;
	p1 =	sne.s32 s12, s10  }
0x83: {  	p0 =	por !p0, !p1  }
0x84: {  	s10 =	simm.s32 $0x1;
	p0 =	por !p0, !p0  }
0x85: {  	s10 =	simm.s32 @!p0 $0x0  }
0x86: {  	s4 =	ssub.s32 s4, s10  }
0x87: {  	p2 =	seq.s32 s4, s24  }
.Ltmp10:
0x88: {  	_ = 	snop;
	(pc) =	sbr.rel @p2 .LBB2_11-.Ltmp10, $3  }
0x89: {  	_ =	sdelay $0x1  }
0x8a: {  	s10 =	sand.u32 $0x1, s4  }
0x8b: {  	p0 =	seq.s32 s10, $0x1;
	p1 =	sne.s32 s10, $0x0  }
0x8c: {  	s10 =	sadd.s32 $0x1, s24  }
0x8d: {  	p2 =	sne.s32 s4, s24;
	p3 =	sne.s32 s4, s10  }
0x8e: {  	p2 =	por !p2, !p3  }
0x8f: {  	_ =	swait.ge [sflag:s13], $0x6000;
	p2 =	por !p2, !p2  }
0x90: {  	[sflag:s13] =	ssyncset.done $0x0;
	p6 =	por !p2, !p2  }
0x91: {  	[sflag:s13] =	ssyncadd.s32 $0xFFFFA000;
	p3 =	por p6, p1  }
0x92: {  	_ =	swait.ge [sflag:s13], $0x6000;
	s10 =	smul.u32 @!p3 $0xC00, s4  }
0x93: {  	[sflag:s13] =	ssyncset.done $0x0  }
0x94: {  	[sflag:s13] =	ssyncadd.s32 $0xFFFFA000;
	s24 =	simm.s32 @!p3 $0xC00;
	s10 =	sshrl.u32 @!p3 s10, $0x3  }
0x95: {  	s6 =	simm.s32 @!p3 $0x7A1400;
	s7 =	simm.s32 @!p3 $0x900;
	s12 =	sadd.s32 @!p3 s0, s10  }
0x96: {  	[tilespmem:s7], [sflag:$0x3] =	stream.strided.gather @!p3 [hbm4b:s12+s24], $0x6000, s6, s24, $0x38;
	[tilespmem:$0x1CD00] =	vst v63  }
0x97: {  	s7 =	simm.s32 @!p3 $0x3  }
0x98: {  	p2 =	por !p2, !p0;
	_ =	swait.ge @!p3 [sflag:s7], $0x6000  }
0x99: {  	p2 =	por !p2, !p2;
	[sflag:s7] =	ssyncset.done @!p3 $0x0  }
0x9a: {  	s10 =	sadd.s32 @!p3 s2, s10;
	s12 =	simm.s32 @!p3 $0x6900;
	[sflag:s7] =	ssyncadd.s32 @!p3 $0xFFFFA000  }
0x9b: {  	[tilespmem:s12], [sflag:$0x3] =	stream.strided.gather @!p3 [hbm4b:s10+s24], $0x6000, s6, s24, $0x38;
	[tilespmem:$0x1CD00] =	vst v63  }
0x9c: {  	s6 =	smul.u32 @p2 $0xC00, s4  }
0x9d: {  	s10 =	simm.s32 @p2 $0xC00;
	_ =	swait.ge @!p3 [sflag:s7], $0x6000  }
0x9e: {  	s12 =	simm.s32 @p2 $0x7A1400;
	[sflag:s7] =	ssyncset.done @!p3 $0x0;
	s6 =	sshrl.u32 @p2 s6, $0x3  }
0x9f: {  	s24 =	simm.s32 @p2 $0xC900;
	[sflag:s7] =	ssyncadd.s32 @!p3 $0xFFFFA000;
	s7 =	sadd.s32 @p2 s0, s6  }
0xa0: {  	[tilespmem:s24], [sflag:$0x3] =	stream.strided.gather @p2 [hbm4b:s7+s10], $0x6000, s12, s10, $0x38;
	[tilespmem:$0x1CD00] =	vst v63  }
0xa1: {  	s24 =	simm.s32 @p2 $0x3  }
0xa2: {  	s8 =	sadd.s32 $0x1, s4;
	s14 =	simm.s32 @p2 $0x12900;
	_ =	swait.ge @p2 [sflag:s24], $0x6000  }
0xa3: {  	p3 =	slt.s32 s8, $0xA2C;
	s7 =	smov.u32 s8;
	[sflag:s24] =	ssyncset.done @p2 $0x0  }
0xa4: {  	s6 =	sadd.s32 @p2 s2, s6;
	s7 =	simm.s32 @!p3 $0xA2C;
	[sflag:s24] =	ssyncadd.s32 @p2 $0xFFFFA000  }
0xa5: {  	[tilespmem:s14], [sflag:$0x3] =	stream.strided.gather @p2 [hbm4b:s6+s10], $0x6000, s12, s10, $0x38;
	[tilespmem:$0x1CD00] =	vst v63  }
0xa6: {  	s6 =	smul.u32 @p0 $0xC00, s7;
	_ =	swait.ge @p2 [sflag:s24], $0x6000  }
0xa7: {  	s8 =	sand.u32 $0x1, s8;
	s12 =	simm.s32 @p0 $0xC00;
	[sflag:s24] =	ssyncset.done @p2 $0x0  }
0xa8: {  	s14 =	simm.s32 @p0 $0x7A1400;
	s6 =	sshrl.u32 @p0 s6, $0x3;
	[sflag:s24] =	ssyncadd.s32 @p2 $0xFFFFA000  }
0xa9: {  	s10 =	sadd.s32 @p0 s0, s6;
	s24 =	simm.s32 @p0 $0x900;
	p2 =	seq.s32 s8, $0x0  }
0xaa: {  	[tilespmem:s24], [sflag:$0x1] =	stream.strided.gather @p0 [hbm4b:s10+s12], $0x6000, s14, s12, $0x38;
	[tilespmem:$0x1CD00] =	vst v63  }
0xab: {  	s6 =	sadd.s32 @p0 s2, s6;
	s8 =	simm.s32 @p0 $0x6900;
	s7 =	smul.u32 @!p2 $0xC00, s7  }
0xac: {  	[tilespmem:s8], [sflag:$0x1] =	stream.strided.gather @p0 [hbm4b:s6+s12], $0x6000, s14, s12, $0x38;
	[tilespmem:$0x1CD00] =	vst v63  }
0xad: {  	s10 =	simm.s32 @!p2 $0x7A1400;
	s6 =	sshrl.u32 @!p2 s7, $0x3  }
0xae: {  	s8 =	simm.s32 @!p2 $0xC00;
	s12 =	simm.s32 @!p2 $0xC900;
	s7 =	sadd.s32 @!p2 s0, s6  }
0xaf: {  	[tilespmem:s12], [sflag:$0x1] =	stream.strided.gather @!p2 [hbm4b:s7+s8], $0x6000, s10, s8, $0x38;
	[tilespmem:$0x1CD00] =	vst v63  }
0xb0: {  	s6 =	sadd.s32 @!p2 s2, s6;
	s7 =	simm.s32 @!p2 $0x12900  }
0xb1: {  	[tilespmem:s7], [sflag:$0x1] =	stream.strided.gather @!p2 [hbm4b:s6+s8], $0x6000, s10, s8, $0x38;
	[tilespmem:$0x1CD00] =	vst v63  }
.LBB2_11:
0xb2: {  	s6 =	smul.u32 $0xFFFFFE80, s4  }
.Ltmp11:
0xb3: {  	_ = 	snop;
	(pc) =	sbr.rel @p1 .LBB2_13-.Ltmp11, $4  }
0xb4: {  	s3 =	sadd.s32 s3, s6  }
0xb5: {  	v6 =	vmov s3  }
0xb6: {  	v7 =	vshll.u32 v6, $0x3  }
0xb7: {  	v5 =	vld [tilespmem:s30+$0x0];
	v6 =	vand.u32 $0x7F, v6;
	v7 =	vand.u32 $0xFFFFFC00, v7  }
0xb8: {  	v8 =	vor.u32 v6, v7  }
0xb9: {  	v9 =	vadd.s32 v0, v8;
	_ =	sdelay $0x4  }
0xba: {  	v10 =	vld.idx.msk [tilespmem:v9+s18+$0x0], $0xffff;
	_ =	sdelay $0x4  }
0xbb: {  	[tilespmem:s29+$0xFFFFFFC0] =	vst v10  }
0xbc: {  	v9 =	vld.idx.msk [tilespmem:v9+s19+$0x0], $0xffff;
	_ =	sdelay $0x4  }
0xbd: {  	v38 =	vmin.f32 v9, $2.000000000e+01  }
0xbe: {  	v10 =	vmul.f32 $1.442695020e+00, v38;
	_ =	sdelay $0x1  }
0xbf: {  	(erf) = vpow2.f32 v10;
	_ =	sdelay $0x8  }
0xc0: {  	v10 =	vpop (erf)  }
0xc1: {  	v10 =	vadd.f32 $1.000000000e+00, v10;
	_ =	sdelay $0x1  }
0xc2: {  	v11 =	vand.u32 $0x7FFFFF, v10  }
0xc3: {  	v11 =	vor.u32 $0x3F800000, v11  }
0xc4: {  	v12 =	vmul.f32 $5.000000000e-01, v11  }
0xc5: {  	vm0 =	vgt.f32 v11, $1.414213540e+00  }
0xc6: {  	v11 =	vsel vm0, v12, v11  }
0xc7: {  	v11 =	vadd.f32 $-1.000000000e+00, v11;
	_ =	sdelay $0x1  }
0xc8: {  	v39 =	vmul.f32 $7.037683580e-02, v11;
	_ =	sdelay $0x1  }
0xc9: {  	v12 =	vadd.f32 $-1.151461010e-01, v39;
	_ =	sdelay $0x1  }
0xca: {  	v12 =	vmul.f32 v12, v11;
	_ =	sdelay $0x1  }
0xcb: {  	v12 =	vadd.f32 $1.167699840e-01, v12;
	_ =	sdelay $0x1  }
0xcc: {  	v12 =	vmul.f32 v12, v11;
	_ =	sdelay $0x1  }
0xcd: {  	v12 =	vadd.f32 $-1.242014100e-01, v12;
	_ =	sdelay $0x1  }
0xce: {  	v12 =	vmul.f32 v12, v11;
	_ =	sdelay $0x1  }
0xcf: {  	v12 =	vadd.f32 $1.424932330e-01, v12;
	_ =	sdelay $0x1  }
0xd0: {  	v12 =	vmul.f32 v12, v11;
	_ =	sdelay $0x1  }
0xd1: {  	v12 =	vadd.f32 $-1.666805740e-01, v12;
	_ =	sdelay $0x1  }
0xd2: {  	v12 =	vmul.f32 v12, v11;
	_ =	sdelay $0x1  }
0xd3: {  	v12 =	vadd.f32 $1.999971420e-01, v12;
	_ =	sdelay $0x1  }
0xd4: {  	v12 =	vmul.f32 v12, v11;
	_ =	sdelay $0x1  }
0xd5: {  	v12 =	vadd.f32 $-2.499999400e-01, v12;
	_ =	sdelay $0x1  }
0xd6: {  	v13 =	vmul.f32 v11, v11;
	v12 =	vmul.f32 v12, v11  }
0xd7: {  	v10 =	vshrl.u32 v10, $0x17  }
0xd8: {  	v10 =	vadd.s32 $0xFFFFFF81, v10;
	v14 =	vmul.f32 v13, v11;
	v12 =	vadd.f32 $3.333333130e-01, v12  }
0xd9: {  	v10 =	vcvt.s32.f32 v10  }
0xda: {  	v13 =	vmul.f32 $5.000000000e-01, v13;
	v12 =	vmul.f32 v12, v14  }
0xdb: {  	v40 =	vsel vm0, $0x3F800000, v1  }
0xdc: {  	v10 =	vadd.f32 v10, v40;
	v12 =	vsub.f32 v12, v13;
	_ =	sdelay $0x1  }
0xdd: {  	v10 =	vmul.f32 $6.931471820e-01, v10;
	v11 =	vadd.f32 v12, v11  }
0xde: {  	v41 =	vadd.s32 v2, v8  }
0xdf: {  	v10 =	vadd.f32 v11, v10  }
0xe0: {  	vm9 =	vgt.f32 v9, $2.000000000e+01  }
0xe1: {  	v9 =	vsel vm9, v9, v10  }
0xe2: {  	[tilespmem:s29+$0x0] =	vst v9  }
0xe3: {  	v9 =	vld.idx.msk [tilespmem:v41+s18+$0x0], $0xffff;
	_ =	sdelay $0x4  }
0xe4: {  	[tilespmem:s29+$0xFFFFFFD0] =	vst v9  }
0xe5: {  	v9 =	vld.idx.msk [tilespmem:v41+s19+$0x0], $0xffff;
	_ =	sdelay $0x4  }
0xe6: {  	v42 =	vmin.f32 v9, $2.000000000e+01  }
0xe7: {  	v10 =	vmul.f32 $1.442695020e+00, v42;
	_ =	sdelay $0x1  }
0xe8: {  	(erf) = vpow2.f32 v10;
	_ =	sdelay $0x8  }
0xe9: {  	v10 =	vpop (erf)  }
0xea: {  	v10 =	vadd.f32 $1.000000000e+00, v10;
	_ =	sdelay $0x1  }
0xeb: {  	v43 =	vand.u32 $0x7FFFFF, v10  }
0xec: {  	v11 =	vor.u32 $0x3F800000, v43  }
0xed: {  	v44 =	vmul.f32 $5.000000000e-01, v11  }
0xee: {  	vm10 =	vgt.f32 v11, $1.414213540e+00  }
0xef: {  	v11 =	vsel vm10, v44, v11  }
0xf0: {  	v11 =	vadd.f32 $-1.000000000e+00, v11;
	_ =	sdelay $0x1  }
0xf1: {  	v45 =	vmul.f32 $7.037683580e-02, v11;
	_ =	sdelay $0x1  }
0xf2: {  	v12 =	vadd.f32 $-1.151461010e-01, v45;
	_ =	sdelay $0x1  }
0xf3: {  	v12 =	vmul.f32 v12, v11;
	_ =	sdelay $0x1  }
0xf4: {  	v12 =	vadd.f32 $1.167699840e-01, v12;
	_ =	sdelay $0x1  }
0xf5: {  	v12 =	vmul.f32 v12, v11;
	_ =	sdelay $0x1  }
0xf6: {  	v12 =	vadd.f32 $-1.242014100e-01, v12;
	_ =	sdelay $0x1  }
0xf7: {  	v12 =	vmul.f32 v12, v11;
	_ =	sdelay $0x1  }
0xf8: {  	v12 =	vadd.f32 $1.424932330e-01, v12;
	_ =	sdelay $0x1  }
0xf9: {  	v12 =	vmul.f32 v12, v11;
	_ =	sdelay $0x1  }
0xfa: {  	v12 =	vadd.f32 $-1.666805740e-01, v12;
	_ =	sdelay $0x1  }
0xfb: {  	v12 =	vmul.f32 v12, v11;
	_ =	sdelay $0x1  }
0xfc: {  	v12 =	vadd.f32 $1.999971420e-01, v12;
	_ =	sdelay $0x1  }
0xfd: {  	v12 =	vmul.f32 v12, v11;
	_ =	sdelay $0x1  }
0xfe: {  	v12 =	vadd.f32 $-2.499999400e-01, v12;
	_ =	sdelay $0x1  }
0xff: {  	v46 =	vmul.f32 v11, v11;
	v12 =	vmul.f32 v12, v11  }
0x100: {  	v10 =	vshrl.u32 v10, $0x17  }
0x101: {  	v10 =	vadd.s32 $0xFFFFFF81, v10;
	v47 =	vmul.f32 v46, v11;
	v12 =	vadd.f32 $3.333333130e-01, v12  }
0x102: {  	v10 =	vcvt.s32.f32 v10  }
0x103: {  	v13 =	vmul.f32 $5.000000000e-01, v46;
	v12 =	vmul.f32 v12, v47  }
0x104: {  	v48 =	vsel vm10, $0x3F800000, v1  }
0x105: {  	v10 =	vadd.f32 v10, v48;
	v12 =	vsub.f32 v12, v13;
	_ =	sdelay $0x1  }
0x106: {  	v10 =	vmul.f32 $6.931471820e-01, v10;
	v11 =	vadd.f32 v12, v11  }
0x107: {  	v49 =	vadd.s32 v3, v8  }
0x108: {  	v10 =	vadd.f32 v11, v10  }
0x109: {  	vm11 =	vgt.f32 v9, $2.000000000e+01  }
0x10a: {  	v9 =	vsel vm11, v9, v10  }
0x10b: {  	[tilespmem:s29+$0x10] =	vst v9  }
0x10c: {  	v9 =	vld.idx.msk [tilespmem:v49+s18+$0x0], $0xffff;
	_ =	sdelay $0x4  }
0x10d: {  	[tilespmem:s29+$0xFFFFFFE0] =	vst v9  }
0x10e: {  	v9 =	vld.idx.msk [tilespmem:v49+s19+$0x0], $0xffff;
	_ =	sdelay $0x4  }
0x10f: {  	v50 =	vmin.f32 v9, $2.000000000e+01  }
0x110: {  	v10 =	vmul.f32 $1.442695020e+00, v50;
	_ =	sdelay $0x1  }
0x111: {  	(erf) = vpow2.f32 v10;
	_ =	sdelay $0x8  }
0x112: {  	v10 =	vpop (erf)  }
0x113: {  	v10 =	vadd.f32 $1.000000000e+00, v10;
	_ =	sdelay $0x1  }
0x114: {  	v51 =	vand.u32 $0x7FFFFF, v10  }
0x115: {  	v11 =	vor.u32 $0x3F800000, v51  }
0x116: {  	v52 =	vmul.f32 $5.000000000e-01, v11  }
0x117: {  	vm12 =	vgt.f32 v11, $1.414213540e+00  }
0x118: {  	v11 =	vsel vm12, v52, v11  }
0x119: {  	v11 =	vadd.f32 $-1.000000000e+00, v11;
	_ =	sdelay $0x1  }
0x11a: {  	v53 =	vmul.f32 $7.037683580e-02, v11;
	_ =	sdelay $0x1  }
0x11b: {  	v12 =	vadd.f32 $-1.151461010e-01, v53;
	_ =	sdelay $0x1  }
0x11c: {  	v12 =	vmul.f32 v12, v11;
	_ =	sdelay $0x1  }
0x11d: {  	v12 =	vadd.f32 $1.167699840e-01, v12;
	_ =	sdelay $0x1  }
0x11e: {  	v12 =	vmul.f32 v12, v11;
	_ =	sdelay $0x1  }
0x11f: {  	v12 =	vadd.f32 $-1.242014100e-01, v12;
	_ =	sdelay $0x1  }
0x120: {  	v12 =	vmul.f32 v12, v11;
	_ =	sdelay $0x1  }
0x121: {  	v12 =	vadd.f32 $1.424932330e-01, v12;
	_ =	sdelay $0x1  }
0x122: {  	v12 =	vmul.f32 v12, v11;
	_ =	sdelay $0x1  }
0x123: {  	v12 =	vadd.f32 $-1.666805740e-01, v12;
	_ =	sdelay $0x1  }
0x124: {  	v12 =	vmul.f32 v12, v11;
	_ =	sdelay $0x1  }
0x125: {  	v12 =	vadd.f32 $1.999971420e-01, v12;
	_ =	sdelay $0x1  }
0x126: {  	v12 =	vmul.f32 v12, v11;
	_ =	sdelay $0x1  }
0x127: {  	v12 =	vadd.f32 $-2.499999400e-01, v12;
	_ =	sdelay $0x1  }
0x128: {  	v54 =	vmul.f32 v11, v11;
	v12 =	vmul.f32 v12, v11  }
0x129: {  	v10 =	vshrl.u32 v10, $0x17  }
0x12a: {  	v10 =	vadd.s32 $0xFFFFFF81, v10;
	v55 =	vmul.f32 v54, v11;
	v12 =	vadd.f32 $3.333333130e-01, v12  }
0x12b: {  	v10 =	vcvt.s32.f32 v10  }
0x12c: {  	v13 =	vmul.f32 $5.000000000e-01, v54;
	v12 =	vmul.f32 v12, v55  }
0x12d: {  	v56 =	vsel vm12, $0x3F800000, v1  }
0x12e: {  	v10 =	vadd.f32 v10, v56;
	v12 =	vsub.f32 v12, v13;
	_ =	sdelay $0x1  }
0x12f: {  	v10 =	vmul.f32 $6.931471820e-01, v10;
	v11 =	vadd.f32 v12, v11  }
0x130: {  	v8 =	vadd.s32 v4, v8  }
0x131: {  	v10 =	vadd.f32 v11, v10  }
0x132: {  	vm13 =	vgt.f32 v9, $2.000000000e+01  }
0x133: {  	v9 =	vsel vm13, v9, v10  }
0x134: {  	[tilespmem:s29+$0x20] =	vst v9  }
0x135: {  	v9 =	vld.idx.msk [tilespmem:v8+s18+$0x0], $0xffff;
	_ =	sdelay $0x4  }
0x136: {  	[tilespmem:s29+$0xFFFFFFF0] =	vst v9  }
0x137: {  	v8 =	vld.idx.msk [tilespmem:v8+s19+$0x0], $0xffff;
	_ =	sdelay $0x4  }
0x138: {  	v57 =	vmin.f32 v8, $2.000000000e+01  }
0x139: {  	v9 =	vmul.f32 $1.442695020e+00, v57;
	_ =	sdelay $0x1  }
0x13a: {  	(erf) = vpow2.f32 v9;
	_ =	sdelay $0x8  }
0x13b: {  	v9 =	vpop (erf)  }
0x13c: {  	v9 =	vadd.f32 $1.000000000e+00, v9;
	_ =	sdelay $0x1  }
0x13d: {  	v58 =	vand.u32 $0x7FFFFF, v9  }
0x13e: {  	v10 =	vor.u32 $0x3F800000, v58  }
0x13f: {  	v59 =	vmul.f32 $5.000000000e-01, v10  }
0x140: {  	vm14 =	vgt.f32 v10, $1.414213540e+00  }
0x141: {  	v10 =	vsel vm14, v59, v10  }
0x142: {  	v10 =	vadd.f32 $-1.000000000e+00, v10;
	_ =	sdelay $0x1  }
0x143: {  	v60 =	vmul.f32 $7.037683580e-02, v10;
	_ =	sdelay $0x1  }
0x144: {  	v11 =	vadd.f32 $-1.151461010e-01, v60;
	_ =	sdelay $0x1  }
0x145: {  	v11 =	vmul.f32 v11, v10;
	_ =	sdelay $0x1  }
0x146: {  	v11 =	vadd.f32 $1.167699840e-01, v11;
	_ =	sdelay $0x1  }
0x147: {  	v11 =	vmul.f32 v11, v10;
	_ =	sdelay $0x1  }
0x148: {  	v11 =	vadd.f32 $-1.242014100e-01, v11;
	_ =	sdelay $0x1  }
0x149: {  	v11 =	vmul.f32 v11, v10;
	_ =	sdelay $0x1  }
0x14a: {  	v11 =	vadd.f32 $1.424932330e-01, v11;
	_ =	sdelay $0x1  }
0x14b: {  	v11 =	vmul.f32 v11, v10;
	_ =	sdelay $0x1  }
0x14c: {  	v11 =	vadd.f32 $-1.666805740e-01, v11;
	_ =	sdelay $0x1  }
0x14d: {  	v11 =	vmul.f32 v11, v10;
	_ =	sdelay $0x1  }
0x14e: {  	v11 =	vadd.f32 $1.999971420e-01, v11;
	_ =	sdelay $0x1  }
0x14f: {  	v11 =	vmul.f32 v11, v10;
	_ =	sdelay $0x1  }
0x150: {  	v11 =	vadd.f32 $-2.499999400e-01, v11;
	_ =	sdelay $0x1  }
0x151: {  	v61 =	vmul.f32 v10, v10;
	v11 =	vmul.f32 v11, v10  }
0x152: {  	v9 =	vshrl.u32 v9, $0x17  }
0x153: {  	v9 =	vadd.s32 $0xFFFFFF81, v9;
	v62 =	vmul.f32 v61, v10;
	v11 =	vadd.f32 $3.333333130e-01, v11  }
0x154: {  	v9 =	vcvt.s32.f32 v9  }
0x155: {  	v12 =	vmul.f32 $5.000000000e-01, v61;
	v11 =	vmul.f32 v11, v62  }
0x156: {  	v63 =	vsel vm14, $0x3F800000, v1  }
0x157: {  	v9 =	vadd.f32 v9, v63;
	v11 =	vsub.f32 v11, v12;
	_ =	sdelay $0x1  }
0x158: {  	v9 =	vmul.f32 $6.931471820e-01, v9;
	v10 =	vadd.f32 v11, v10;
	_ =	sdelay $0x1  }
0x159: {  	v9 =	vadd.f32 v10, v9  }
0x15a: {  	vm15 =	vgt.f32 v8, $2.000000000e+01  }
0x15b: {  	v8 =	vsel vm15, v8, v9  }
0x15c: {  	[tilespmem:s29+$0x30] =	vst v8  }
.LBB2_13:
.Ltmp12:
0x15d: {  	(pc) =	sbr.rel @!p0 .LBB2_15-.Ltmp12, $1  }
0x15e: {  	_ =	sdelay $0x3  }
0x15f: {  	v6 =	vor.u32 v6, v7  }
0x160: {  	v7 =	vadd.s32 v0, v6;
	_ =	sdelay $0x4  }
0x161: {  	v8 =	vld.idx.msk [tilespmem:v7+s16+$0x0], $0xffff;
	_ =	sdelay $0x4  }
0x162: {  	[tilespmem:s29+$0xFFFFFFC0] =	vst v8  }
0x163: {  	v7 =	vld.idx.msk [tilespmem:v7+s17+$0x0], $0xffff;
	_ =	sdelay $0x4  }
0x164: {  	v39 =	vmin.f32 v7, $2.000000000e+01  }
0x165: {  	v8 =	vmul.f32 $1.442695020e+00, v39;
	_ =	sdelay $0x1  }
0x166: {  	(erf) = vpow2.f32 v8;
	_ =	sdelay $0x8  }
0x167: {  	v8 =	vpop (erf)  }
0x168: {  	v8 =	vadd.f32 $1.000000000e+00, v8;
	_ =	sdelay $0x1  }
0x169: {  	v9 =	vand.u32 $0x7FFFFF, v8  }
0x16a: {  	v9 =	vor.u32 $0x3F800000, v9  }
0x16b: {  	v10 =	vmul.f32 $5.000000000e-01, v9  }
0x16c: {  	vm0 =	vgt.f32 v9, $1.414213540e+00  }
0x16d: {  	v9 =	vsel vm0, v10, v9  }
0x16e: {  	v9 =	vadd.f32 $-1.000000000e+00, v9;
	_ =	sdelay $0x1  }
0x16f: {  	v40 =	vmul.f32 $7.037683580e-02, v9;
	_ =	sdelay $0x1  }
0x170: {  	v10 =	vadd.f32 $-1.151461010e-01, v40;
	_ =	sdelay $0x1  }
0x171: {  	v10 =	vmul.f32 v10, v9;
	_ =	sdelay $0x1  }
0x172: {  	v10 =	vadd.f32 $1.167699840e-01, v10;
	_ =	sdelay $0x1  }
0x173: {  	v10 =	vmul.f32 v10, v9;
	_ =	sdelay $0x1  }
0x174: {  	v10 =	vadd.f32 $-1.242014100e-01, v10;
	_ =	sdelay $0x1  }
0x175: {  	v10 =	vmul.f32 v10, v9;
	_ =	sdelay $0x1  }
0x176: {  	v10 =	vadd.f32 $1.424932330e-01, v10;
	_ =	sdelay $0x1  }
0x177: {  	v10 =	vmul.f32 v10, v9;
	_ =	sdelay $0x1  }
0x178: {  	v10 =	vadd.f32 $-1.666805740e-01, v10;
	_ =	sdelay $0x1  }
0x179: {  	v10 =	vmul.f32 v10, v9;
	_ =	sdelay $0x1  }
0x17a: {  	v10 =	vadd.f32 $1.999971420e-01, v10;
	_ =	sdelay $0x1  }
0x17b: {  	v10 =	vmul.f32 v10, v9;
	_ =	sdelay $0x1  }
0x17c: {  	v10 =	vadd.f32 $-2.499999400e-01, v10;
	_ =	sdelay $0x1  }
0x17d: {  	v11 =	vmul.f32 v9, v9;
	v10 =	vmul.f32 v10, v9  }
0x17e: {  	v8 =	vshrl.u32 v8, $0x17  }
0x17f: {  	v8 =	vadd.s32 $0xFFFFFF81, v8;
	v12 =	vmul.f32 v11, v9;
	v10 =	vadd.f32 $3.333333130e-01, v10  }
0x180: {  	v8 =	vcvt.s32.f32 v8  }
0x181: {  	v11 =	vmul.f32 $5.000000000e-01, v11;
	v10 =	vmul.f32 v10, v12  }
0x182: {  	v41 =	vsel vm0, $0x3F800000, v1  }
0x183: {  	v8 =	vadd.f32 v8, v41;
	v10 =	vsub.f32 v10, v11;
	_ =	sdelay $0x1  }
0x184: {  	v8 =	vmul.f32 $6.931471820e-01, v8;
	v9 =	vadd.f32 v10, v9  }
0x185: {  	v42 =	vadd.s32 v2, v6  }
0x186: {  	v8 =	vadd.f32 v9, v8  }
0x187: {  	vm9 =	vgt.f32 v7, $2.000000000e+01  }
0x188: {  	v7 =	vsel vm9, v7, v8  }
0x189: {  	[tilespmem:s29+$0x0] =	vst v7  }
0x18a: {  	v7 =	vld.idx.msk [tilespmem:v42+s16+$0x0], $0xffff;
	_ =	sdelay $0x4  }
0x18b: {  	[tilespmem:s29+$0xFFFFFFD0] =	vst v7  }
0x18c: {  	v7 =	vld.idx.msk [tilespmem:v42+s17+$0x0], $0xffff;
	_ =	sdelay $0x4  }
0x18d: {  	v43 =	vmin.f32 v7, $2.000000000e+01  }
0x18e: {  	v8 =	vmul.f32 $1.442695020e+00, v43;
	_ =	sdelay $0x1  }
0x18f: {  	(erf) = vpow2.f32 v8;
	_ =	sdelay $0x8  }
0x190: {  	v8 =	vpop (erf)  }
0x191: {  	v8 =	vadd.f32 $1.000000000e+00, v8;
	_ =	sdelay $0x1  }
0x192: {  	v44 =	vand.u32 $0x7FFFFF, v8  }
0x193: {  	v9 =	vor.u32 $0x3F800000, v44  }
0x194: {  	v45 =	vmul.f32 $5.000000000e-01, v9  }
0x195: {  	vm10 =	vgt.f32 v9, $1.414213540e+00  }
0x196: {  	v9 =	vsel vm10, v45, v9  }
0x197: {  	v9 =	vadd.f32 $-1.000000000e+00, v9;
	_ =	sdelay $0x1  }
0x198: {  	v46 =	vmul.f32 $7.037683580e-02, v9;
	_ =	sdelay $0x1  }
0x199: {  	v10 =	vadd.f32 $-1.151461010e-01, v46;
	_ =	sdelay $0x1  }
0x19a: {  	v10 =	vmul.f32 v10, v9;
	_ =	sdelay $0x1  }
0x19b: {  	v10 =	vadd.f32 $1.167699840e-01, v10;
	_ =	sdelay $0x1  }
0x19c: {  	v10 =	vmul.f32 v10, v9;
	_ =	sdelay $0x1  }
0x19d: {  	v10 =	vadd.f32 $-1.242014100e-01, v10;
	_ =	sdelay $0x1  }
0x19e: {  	v10 =	vmul.f32 v10, v9;
	_ =	sdelay $0x1  }
0x19f: {  	v10 =	vadd.f32 $1.424932330e-01, v10;
	_ =	sdelay $0x1  }
0x1a0: {  	v10 =	vmul.f32 v10, v9;
	_ =	sdelay $0x1  }
0x1a1: {  	v10 =	vadd.f32 $-1.666805740e-01, v10;
	_ =	sdelay $0x1  }
0x1a2: {  	v10 =	vmul.f32 v10, v9;
	_ =	sdelay $0x1  }
0x1a3: {  	v10 =	vadd.f32 $1.999971420e-01, v10;
	_ =	sdelay $0x1  }
0x1a4: {  	v10 =	vmul.f32 v10, v9;
	_ =	sdelay $0x1  }
0x1a5: {  	v10 =	vadd.f32 $-2.499999400e-01, v10;
	_ =	sdelay $0x1  }
0x1a6: {  	v47 =	vmul.f32 v9, v9;
	v10 =	vmul.f32 v10, v9  }
0x1a7: {  	v8 =	vshrl.u32 v8, $0x17  }
0x1a8: {  	v8 =	vadd.s32 $0xFFFFFF81, v8;
	v48 =	vmul.f32 v47, v9;
	v10 =	vadd.f32 $3.333333130e-01, v10  }
0x1a9: {  	v8 =	vcvt.s32.f32 v8  }
0x1aa: {  	v11 =	vmul.f32 $5.000000000e-01, v47;
	v10 =	vmul.f32 v10, v48  }
0x1ab: {  	v49 =	vsel vm10, $0x3F800000, v1  }
0x1ac: {  	v8 =	vadd.f32 v8, v49;
	v10 =	vsub.f32 v10, v11;
	_ =	sdelay $0x1  }
0x1ad: {  	v8 =	vmul.f32 $6.931471820e-01, v8;
	v9 =	vadd.f32 v10, v9  }
0x1ae: {  	v50 =	vadd.s32 v3, v6  }
0x1af: {  	v8 =	vadd.f32 v9, v8  }
0x1b0: {  	vm11 =	vgt.f32 v7, $2.000000000e+01  }
0x1b1: {  	v7 =	vsel vm11, v7, v8  }
0x1b2: {  	[tilespmem:s29+$0x10] =	vst v7  }
0x1b3: {  	v7 =	vld.idx.msk [tilespmem:v50+s16+$0x0], $0xffff;
	_ =	sdelay $0x4  }
0x1b4: {  	[tilespmem:s29+$0xFFFFFFE0] =	vst v7  }
0x1b5: {  	v7 =	vld.idx.msk [tilespmem:v50+s17+$0x0], $0xffff;
	_ =	sdelay $0x4  }
0x1b6: {  	v51 =	vmin.f32 v7, $2.000000000e+01  }
0x1b7: {  	v8 =	vmul.f32 $1.442695020e+00, v51;
	_ =	sdelay $0x1  }
0x1b8: {  	(erf) = vpow2.f32 v8;
	_ =	sdelay $0x8  }
0x1b9: {  	v8 =	vpop (erf)  }
0x1ba: {  	v8 =	vadd.f32 $1.000000000e+00, v8;
	_ =	sdelay $0x1  }
0x1bb: {  	v52 =	vand.u32 $0x7FFFFF, v8  }
0x1bc: {  	v9 =	vor.u32 $0x3F800000, v52  }
0x1bd: {  	v53 =	vmul.f32 $5.000000000e-01, v9  }
0x1be: {  	vm12 =	vgt.f32 v9, $1.414213540e+00  }
0x1bf: {  	v9 =	vsel vm12, v53, v9  }
0x1c0: {  	v9 =	vadd.f32 $-1.000000000e+00, v9;
	_ =	sdelay $0x1  }
0x1c1: {  	v54 =	vmul.f32 $7.037683580e-02, v9;
	_ =	sdelay $0x1  }
0x1c2: {  	v10 =	vadd.f32 $-1.151461010e-01, v54;
	_ =	sdelay $0x1  }
0x1c3: {  	v10 =	vmul.f32 v10, v9;
	_ =	sdelay $0x1  }
0x1c4: {  	v10 =	vadd.f32 $1.167699840e-01, v10;
	_ =	sdelay $0x1  }
0x1c5: {  	v10 =	vmul.f32 v10, v9;
	_ =	sdelay $0x1  }
0x1c6: {  	v10 =	vadd.f32 $-1.242014100e-01, v10;
	_ =	sdelay $0x1  }
0x1c7: {  	v10 =	vmul.f32 v10, v9;
	_ =	sdelay $0x1  }
0x1c8: {  	v10 =	vadd.f32 $1.424932330e-01, v10;
	_ =	sdelay $0x1  }
0x1c9: {  	v10 =	vmul.f32 v10, v9;
	_ =	sdelay $0x1  }
0x1ca: {  	v10 =	vadd.f32 $-1.666805740e-01, v10;
	_ =	sdelay $0x1  }
0x1cb: {  	v10 =	vmul.f32 v10, v9;
	_ =	sdelay $0x1  }
0x1cc: {  	v10 =	vadd.f32 $1.999971420e-01, v10;
	_ =	sdelay $0x1  }
0x1cd: {  	v10 =	vmul.f32 v10, v9;
	_ =	sdelay $0x1  }
0x1ce: {  	v10 =	vadd.f32 $-2.499999400e-01, v10;
	_ =	sdelay $0x1  }
0x1cf: {  	v55 =	vmul.f32 v9, v9;
	v10 =	vmul.f32 v10, v9  }
0x1d0: {  	v8 =	vshrl.u32 v8, $0x17  }
0x1d1: {  	v8 =	vadd.s32 $0xFFFFFF81, v8;
	v56 =	vmul.f32 v55, v9;
	v10 =	vadd.f32 $3.333333130e-01, v10  }
0x1d2: {  	v8 =	vcvt.s32.f32 v8  }
0x1d3: {  	v11 =	vmul.f32 $5.000000000e-01, v55;
	v10 =	vmul.f32 v10, v56  }
0x1d4: {  	v57 =	vsel vm12, $0x3F800000, v1  }
0x1d5: {  	v8 =	vadd.f32 v8, v57;
	v10 =	vsub.f32 v10, v11;
	_ =	sdelay $0x1  }
0x1d6: {  	v8 =	vmul.f32 $6.931471820e-01, v8;
	v9 =	vadd.f32 v10, v9  }
0x1d7: {  	v6 =	vadd.s32 v4, v6  }
0x1d8: {  	v8 =	vadd.f32 v9, v8  }
0x1d9: {  	vm13 =	vgt.f32 v7, $2.000000000e+01  }
0x1da: {  	v7 =	vsel vm13, v7, v8  }
0x1db: {  	[tilespmem:s29+$0x20] =	vst v7  }
0x1dc: {  	v7 =	vld.idx.msk [tilespmem:v6+s16+$0x0], $0xffff;
	_ =	sdelay $0x4  }
0x1dd: {  	[tilespmem:s29+$0xFFFFFFF0] =	vst v7  }
0x1de: {  	v6 =	vld.idx.msk [tilespmem:v6+s17+$0x0], $0xffff;
	_ =	sdelay $0x4  }
0x1df: {  	v7 =	vmin.f32 v6, $2.000000000e+01  }
0x1e0: {  	v7 =	vmul.f32 $1.442695020e+00, v7;
	_ =	sdelay $0x1  }
0x1e1: {  	(erf) = vpow2.f32 v7;
	_ =	sdelay $0x8  }
0x1e2: {  	v7 =	vpop (erf)  }
0x1e3: {  	v7 =	vadd.f32 $1.000000000e+00, v7;
	_ =	sdelay $0x1  }
0x1e4: {  	v58 =	vand.u32 $0x7FFFFF, v7  }
0x1e5: {  	v8 =	vor.u32 $0x3F800000, v58  }
0x1e6: {  	v59 =	vmul.f32 $5.000000000e-01, v8  }
0x1e7: {  	vm14 =	vgt.f32 v8, $1.414213540e+00  }
0x1e8: {  	v8 =	vsel vm14, v59, v8  }
0x1e9: {  	v8 =	vadd.f32 $-1.000000000e+00, v8;
	_ =	sdelay $0x1  }
0x1ea: {  	v60 =	vmul.f32 $7.037683580e-02, v8;
	_ =	sdelay $0x1  }
0x1eb: {  	v9 =	vadd.f32 $-1.151461010e-01, v60;
	_ =	sdelay $0x1  }
0x1ec: {  	v9 =	vmul.f32 v9, v8;
	_ =	sdelay $0x1  }
0x1ed: {  	v9 =	vadd.f32 $1.167699840e-01, v9;
	_ =	sdelay $0x1  }
0x1ee: {  	v9 =	vmul.f32 v9, v8;
	_ =	sdelay $0x1  }
0x1ef: {  	v9 =	vadd.f32 $-1.242014100e-01, v9;
	_ =	sdelay $0x1  }
0x1f0: {  	v9 =	vmul.f32 v9, v8;
	_ =	sdelay $0x1  }
0x1f1: {  	v9 =	vadd.f32 $1.424932330e-01, v9;
	_ =	sdelay $0x1  }
0x1f2: {  	v9 =	vmul.f32 v9, v8;
	_ =	sdelay $0x1  }
0x1f3: {  	v9 =	vadd.f32 $-1.666805740e-01, v9;
	_ =	sdelay $0x1  }
0x1f4: {  	v9 =	vmul.f32 v9, v8;
	_ =	sdelay $0x1  }
0x1f5: {  	v9 =	vadd.f32 $1.999971420e-01, v9;
	_ =	sdelay $0x1  }
0x1f6: {  	v9 =	vmul.f32 v9, v8;
	_ =	sdelay $0x1  }
0x1f7: {  	v9 =	vadd.f32 $-2.499999400e-01, v9;
	_ =	sdelay $0x1  }
0x1f8: {  	v61 =	vmul.f32 v8, v8;
	v9 =	vmul.f32 v9, v8  }
0x1f9: {  	v7 =	vshrl.u32 v7, $0x17  }
0x1fa: {  	v7 =	vadd.s32 $0xFFFFFF81, v7;
	v62 =	vmul.f32 v61, v8;
	v9 =	vadd.f32 $3.333333130e-01, v9  }
0x1fb: {  	v7 =	vcvt.s32.f32 v7  }
0x1fc: {  	v10 =	vmul.f32 $5.000000000e-01, v61;
	v9 =	vmul.f32 v9, v62  }
0x1fd: {  	v63 =	vsel vm14, $0x3F800000, v1  }
0x1fe: {  	v7 =	vadd.f32 v7, v63;
	v9 =	vsub.f32 v9, v10;
	_ =	sdelay $0x1  }
0x1ff: {  	v7 =	vmul.f32 $6.931471820e-01, v7;
	v8 =	vadd.f32 v9, v8  }
.Ltmp13:
0x200: {  	_ = 	snop;
	(pc) =	sbr.rel .LBB2_15-.Ltmp13, $4  }
0x201: {  	v7 =	vadd.f32 v8, v7  }
0x202: {  	vm15 =	vgt.f32 v6, $2.000000000e+01  }
0x203: {  	v6 =	vsel vm15, v6, v7  }
0x204: {  	[tilespmem:s29+$0x30] =	vst v6  }
.LBB2_18:
0x205: {  	_ =	sfence.sel $0x180000  }
0x206: {  	[bflag:$0x0] =	sbarrier.arrive $0xFFFF  }
0x207: {  	_ =	strace $0x9000004A  }
0x208: {  	s0 =	stileid.u32;
	[bflag:$0x2] =	sbarrier.arrive $0xFFFF  }
0x209: {  	p0 =	sne.s32 s0, $0x0;
	s0 =	rddreg [dreg:$0x4]  }
0x20a: {  	s0 =	sadd.s32 @!p0 $0x100000, s0  }
0x20b: {  	[sflag:s0] =	ssyncadd.tile.s32 @!p0 $0x1;
	_ =	shalt  }
.Lfunc_end2:
_tile_overlayer_lowered:
.L_overlay_start_2:
0x20c: {  	(tag) =	ssettag $0x2  }
0x20d: {  	s0 =	rddreg [dreg:$0x0];
	s2 =	stileid.u32  }
0x20e: {  	s1 =	rddreg [dreg:$0x1];
	p0 =	sne.s32 s2, $0x0  }
0x20f: {  	s3 =	rddreg [dreg:$0x2];
	[bflag:$0x3] =	sbarrier.arrive $0xFFFF;
	s2 =	simm.s32 @!p0 $0x1C03  }
0x210: {  	[timem:s3], [sflag:s2] =	dma.local @!p0 [hbm:s0], s1  }
0x211: {  	s0 =	simm.s32 @!p0 $0x3  }
0x212: {  	_ =	swait.ge @!p0 [sflag:s0], s1  }
0x213: {  	s1 =	ssub.s32 @!p0 $0x0, s1;
	[sflag:s0] =	ssyncset.done @!p0 $0x0  }
0x214: {  	[sflag:s0] =	ssyncadd.s32 @!p0 s1  }
0x215: {  	[bflag:$0x3] =	sbarrier.arrive $0xFFFF  }
0x216: {  	_ =	shalt  }

</sc_bundles>
